<compile_context>
chip_gen: v7x
topology: tpu7x:2x2x1
jax: 0.10.2.dev20260603
libtpu: 0.0.44.dev20260713+nightly
codegen_flags: <defaults>
</compile_context>

<pallas_src>
import functools

import jax
import jax.numpy as jnp
from jax import lax
from jax.experimental import pallas as pl
from jax.experimental.pallas import tpu as pltpu
from jax.experimental.pallas import tpu_sc as plsc

N = 10000
NPAD = 10240
ROWS_PT = NPAD // 16
EPB = 128
NB = 80
NTILES = 32
EPAD = NTILES * NB * EPB
DEGW = 128

_mesh = plsc.VectorSubcoreMesh(core_axis_name="c", subcore_axis_name="s")


@functools.partial(
    pl.kernel,
    out_type=jax.ShapeDtypeStruct((2, NPAD, DEGW), jnp.float32),
    mesh=_mesh,
    scratch_types=[
        pltpu.VMEM((NB, EPB), jnp.int32),
        pltpu.VMEM((EPB, DEGW), jnp.float32),
        pltpu.VMEM_SHARED((NPAD, DEGW), jnp.float32),
        pltpu.SemaphoreType.DMA,
        pltpu.SemaphoreType.DMA,
    ],
)
def _deg_kernel(dst_hbm, ones_hbm, zeros_hbm, out_hbm, dst_v, ones_v, acc_sh,
                sem0, sem1):
    c = lax.axis_index("c")
    s = lax.axis_index("s")
    w = c * 16 + s
    pltpu.sync_copy(dst_hbm.at[w], dst_v)
    pltpu.sync_copy(ones_hbm, ones_v)
    pltpu.sync_copy(zeros_hbm.at[pl.ds(s * ROWS_PT, ROWS_PT)],
                    acc_sh.at[pl.ds(s * ROWS_PT, ROWS_PT)])
    plsc.subcore_barrier()

    sems = (sem0, sem1)

    @pl.loop(0, NB // 2)
    def _(g):
        for b in range(2):
            j = g * 2 + b

            @pl.when(j >= 2)
            def _():
                pltpu.make_async_copy(ones_v, acc_sh.at[dst_v.at[j - 2]],
                                      sems[b]).wait()

            pltpu.async_copy(ones_v, acc_sh.at[dst_v.at[j]], sems[b], add=True)

    pltpu.make_async_copy(ones_v, acc_sh.at[dst_v.at[NB - 2]], sems[0]).wait()
    pltpu.make_async_copy(ones_v, acc_sh.at[dst_v.at[NB - 1]], sems[1]).wait()
    plsc.subcore_barrier()
    pltpu.sync_copy(acc_sh.at[pl.ds(s * ROWS_PT, ROWS_PT)],
                    out_hbm.at[c, pl.ds(s * ROWS_PT, ROWS_PT)])


SCH = 16
NSC = NB // SCH


def _make_agg_kernel(D):
    @functools.partial(
        pl.kernel,
        out_type=jax.ShapeDtypeStruct((2, NPAD, D), jnp.float32),
        mesh=_mesh,
        scratch_types=[
            pltpu.VMEM((SCH, EPB), jnp.int32),
            pltpu.VMEM((SCH, EPB), jnp.int32),
            pltpu.VMEM((EPB, D), jnp.float32),
            pltpu.VMEM((EPB, D), jnp.float32),
            pltpu.VMEM_SHARED((NPAD, D), jnp.float32),
            pltpu.SemaphoreType.DMA,
            pltpu.SemaphoreType.DMA,
            pltpu.SemaphoreType.DMA,
            pltpu.SemaphoreType.DMA,
        ],
    )
    def agg(y_hbm, src_hbm, dst_hbm, zeros_hbm, out_hbm,
            src_v, dst_v, buf0, buf1, acc_sh, semg0, semg1, sems0, sems1):
        c = lax.axis_index("c")
        s = lax.axis_index("s")
        w = c * 16 + s
        pltpu.sync_copy(zeros_hbm.at[pl.ds(s * ROWS_PT, ROWS_PT)],
                        acc_sh.at[pl.ds(s * ROWS_PT, ROWS_PT)])
        plsc.subcore_barrier()

        bufs = (buf0, buf1)
        semg = (semg0, semg1)
        sems = (sems0, sems1)

        @pl.loop(0, NSC)
        def _(sc):
            pltpu.sync_copy(src_hbm.at[w, pl.ds(sc * SCH, SCH)], src_v)
            pltpu.sync_copy(dst_hbm.at[w, pl.ds(sc * SCH, SCH)], dst_v)
            pltpu.async_copy(y_hbm.at[src_v.at[0]], buf0, semg0)

            @pl.loop(0, SCH // 2)
            def _(g):
                for b in range(2):
                    j = g * 2 + b

                    @pl.when(j >= 1)
                    def _():
                        pltpu.make_async_copy(
                            bufs[1 - b], acc_sh.at[dst_v.at[j - 1]],
                            sems[1 - b]).wait()

                    @pl.when(j + 1 < SCH)
                    def _():
                        pltpu.async_copy(y_hbm.at[src_v.at[j + 1]],
                                         bufs[1 - b], semg[1 - b])

                    pltpu.make_async_copy(y_hbm.at[src_v.at[j]], bufs[b],
                                          semg[b]).wait()
                    pltpu.async_copy(bufs[b], acc_sh.at[dst_v.at[j]],
                                     sems[b], add=True)

            pltpu.make_async_copy(bufs[1], acc_sh.at[dst_v.at[SCH - 1]],
                                  sems[1]).wait()

        plsc.subcore_barrier()
        pltpu.sync_copy(acc_sh.at[pl.ds(s * ROWS_PT, ROWS_PT)],
                        out_hbm.at[c, pl.ds(s * ROWS_PT, ROWS_PT)])

    return agg


_agg128_kernel = _make_agg_kernel(128)


def _t0_body(degp_ref, x_ref, dinv_ref, y_ref):
    deg8 = degp_ref[0] + degp_ref[1] + 1.0
    dinv8 = lax.rsqrt(deg8)
    d = dinv8[:, 0:1]
    dinv_ref[...] = d
    y_ref[0:N, :] = x_ref[...] * d[0:N]
    y_ref[pl.ds(N, NPAD - N), :] = jnp.zeros((NPAD - N, 128), jnp.float32)


def _t1_body(sp_ref, y_ref, dinv_ref, w1_ref, b1_ref, w2_ref, z_ref, y2_ref):
    d = dinv_ref[...]
    agg = d * (sp_ref[0] + sp_ref[1]) + d * y_ref[...]
    h = jnp.dot(agg, w1_ref[...], preferred_element_type=jnp.float32) + b1_ref[...]
    h = jnp.where(h >= 0, h, 0.01 * h)
    z = jnp.dot(h, w2_ref[...], preferred_element_type=jnp.float32)
    z_ref[...] = z
    y2_ref[...] = z * d


def _t2_body(sp_ref, z_ref, dinv_ref, b2_ref, out_ref):
    d = dinv_ref[...]
    o = (d * (sp_ref[0][:, 0:4] + sp_ref[1][:, 0:4])
         + (d * d) * z_ref[:, 0:4] + b2_ref[...])
    m = jnp.max(o, axis=1, keepdims=True)
    e = jnp.exp(o - m)
    out_ref[...] = o - m - jnp.log(jnp.sum(e, axis=1, keepdims=True))


def kernel(in_feat, edge_index, W1, b1, W2, b2):
    src = edge_index[0].astype(jnp.int32)
    dst = edge_index[1].astype(jnp.int32)
    e = src.shape[0]
    pad_i = jnp.arange(EPAD - e, dtype=jnp.int32)
    pad_src = N + pad_i % (NPAD - N)
    pad_dst = pad_i % NPAD
    src_p = jnp.concatenate([src, pad_src]).reshape(NTILES, NB, EPB)
    dst_p = jnp.concatenate([dst, pad_dst]).reshape(NTILES, NB, EPB)

    ones1 = jnp.zeros((EPB, DEGW), jnp.float32).at[:, 0].set(1.0)
    zeros128 = jnp.zeros((NPAD, 128), jnp.float32)
    w2p = jnp.zeros((512, 128), jnp.float32).at[:, :4].set(W2)

    degp = _deg_kernel(dst_p, ones1, zeros128)

    dinv, y1 = pl.pallas_call(
        _t0_body,
        out_shape=[jax.ShapeDtypeStruct((NPAD, 1), jnp.float32),
                   jax.ShapeDtypeStruct((NPAD, 128), jnp.float32)],
    )(degp, in_feat)

    s1p = _agg128_kernel(y1, src_p, dst_p, zeros128)

    R = 1280
    z, y2 = pl.pallas_call(
        _t1_body,
        grid=(NPAD // R,),
        in_specs=[
            pl.BlockSpec((2, R, 128), lambda i: (0, i, 0)),
            pl.BlockSpec((R, 128), lambda i: (i, 0)),
            pl.BlockSpec((R, 1), lambda i: (i, 0)),
            pl.BlockSpec((128, 512), lambda i: (0, 0)),
            pl.BlockSpec((1, 512), lambda i: (0, 0)),
            pl.BlockSpec((512, 128), lambda i: (0, 0)),
        ],
        out_specs=[
            pl.BlockSpec((R, 128), lambda i: (i, 0)),
            pl.BlockSpec((R, 128), lambda i: (i, 0)),
        ],
        out_shape=[jax.ShapeDtypeStruct((NPAD, 128), jnp.float32),
                   jax.ShapeDtypeStruct((NPAD, 128), jnp.float32)],
    )(s1p, y1, dinv, W1, b1.reshape(1, 512), w2p)

    s2p = _agg128_kernel(y2, src_p, dst_p, zeros128)

    out = pl.pallas_call(
        _t2_body,
        out_shape=jax.ShapeDtypeStruct((NPAD, 4), jnp.float32),
    )(s2p, z, dinv, b2.reshape(1, 4))
    return out[:N]

# --- scband reference (transcript-rebuilt; emitter-appended) ---
"""Pipeline reference for scband-gcnn-43215960932717 (READ-ONLY COPY).

The authoritative reference and input builder live on the scoring server;
editing this copy changes nothing except your own understanding.
"""

import jax, jax.numpy as jnp
import numpy as np

N_NODES = 10000

def gcn_conv(x, edge_index, W, b):
    N = x.shape[0]
    loops = jnp.arange(N, dtype=edge_index.dtype)
    src = jnp.concatenate([edge_index[0], loops])
    dst = jnp.concatenate([edge_index[1], loops])
    deg = jnp.zeros((N,), dtype=x.dtype).at[dst].add(1.0)
    dinv = jnp.where(deg > 0, 1.0 / jnp.sqrt(deg), 0.0)
    norm = dinv[src] * dinv[dst]
    xw = x @ W
    msg = xw[src] * norm[:, None]
    out = jnp.zeros((N, W.shape[1]), dtype=x.dtype).at[dst].add(msg)
    return out + b

def setup_inputs(seed: int = 0) -> dict:
    key = jax.random.key(seed)
    k1, k2, k3, k4, k5, k6 = jax.random.split(key, 6)
    in_feat = jax.random.normal(k1, (N_NODES, 128), dtype=jnp.float32)
    edge_index = jax.random.randint(k2, (2, 320000), 0, N_NODES, dtype=jnp.int64)
    W1 = jax.random.normal(k3, (128, 512), dtype=jnp.float32) * (1.0 / np.sqrt(128))
    b1 = jnp.zeros((512,), dtype=jnp.float32)
    W2 = jax.random.normal(k4, (512, 4), dtype=jnp.float32) * (1.0 / np.sqrt(512))
    b2 = jnp.zeros((4,), dtype=jnp.float32)
    return {"in_feat": in_feat, "edge_index": edge_index, "W1": W1, "b1": b1, "W2": W2, "b2": b2}

def reference(in_feat, edge_index, W1, b1, W2, b2):
    x = gcn_conv(in_feat, edge_index, W1, b1)
    x = jnp.where(x >= 0, x, 0.01 * x)  # LeakyReLU(0.01)
    # dropout is identity in eval mode
    x = gcn_conv(x, edge_index, W2, b2)
    x = jax.nn.log_softmax(x, axis=1)
    return x

if __name__ == "__main__":
    import jax
    _d = setup_inputs()
    print(jax.jit(kernel)(*tuple(_d.values())))

</pallas_src>

<mosaic_0001>
#map = affine_map<(d0, d1) -> (0, 0)>
#map1 = affine_map<(d0, d1) -> (0, 0, 0)>
module attributes {stable_mosaic.version = 14 : i64} {
  func.func @agg(%arg0: i32, %arg1: i32, %arg2: memref<10240x128xf32, #tpu.memory_space<hbm>>, %arg3: memref<32x80x128xi32, #tpu.memory_space<hbm>>, %arg4: memref<32x80x128xi32, #tpu.memory_space<hbm>>, %arg5: memref<10240x128xf32, #tpu.memory_space<hbm>>, %arg6: memref<2x10240x128xf32, #tpu.memory_space<hbm>>, %arg7: memref<16x128xi32, #tpu.memory_space<vmem>>, %arg8: memref<16x128xi32, #tpu.memory_space<vmem>>, %arg9: memref<128x128xf32, #tpu.memory_space<vmem>>, %arg10: memref<128x128xf32, #tpu.memory_space<vmem>>, %arg11: memref<10240x128xf32, #tpu.memory_space<vmem_shared>>, %arg12: memref<!tpu.dma_semaphore, #tpu.memory_space<semaphore_mem>>, %arg13: memref<!tpu.dma_semaphore, #tpu.memory_space<semaphore_mem>>, %arg14: memref<!tpu.dma_semaphore, #tpu.memory_space<semaphore_mem>>, %arg15: memref<!tpu.dma_semaphore, #tpu.memory_space<semaphore_mem>>) attributes {dimension_semantics = [#tpu.dimension_semantics<core_parallel>, #tpu.dimension_semantics<subcore_parallel>], iteration_bounds = array<i64: 2, 16>, scalar_prefetch = 0 : i64, scratch_operands = 9 : i64, tpu.core_type = #tpu.core_type<sc_vector_subcore>, window_params = [{transform_indices = #map}, {transform_indices = #map1}, {transform_indices = #map1}, {transform_indices = #map}, {transform_indices = #map1}]} {
    %mul3A = arith.constant 16 : i32
    %mul3A_0 = arith.muli %arg0, %mul3A : i32
    %add3A = arith.addi %mul3A_0, %arg1 : i32
    %mul3A_1 = arith.constant 640 : i32
    %mul3A_2 = arith.muli %arg1, %mul3A_1 : i32
    %mul3A_3 = arith.constant 640 : i32
    %mul3A_4 = arith.muli %arg1, %mul3A_3 : i32
    "tpu.region"() ({
      %run_scoped3A = tpu.sem_alloc : memref<!tpu.dma_semaphore, #tpu.memory_space<semaphore_mem>>
      %dma_start3A = arith.constant 0 : i32
      %dma_start3A_14 = tpu.memref_slice %arg11[%mul3A_4, %dma_start3A] : memref<10240x128xf32, #tpu.memory_space<vmem_shared>> -> memref<640x128xf32, #tpu.memory_space<vmem_shared>>
      %dma_start3A_15 = arith.constant 0 : i32
      %dma_start3A_16 = tpu.memref_slice %arg5[%mul3A_2, %dma_start3A_15] : memref<10240x128xf32, #tpu.memory_space<hbm>> -> memref<640x128xf32, #tpu.memory_space<hbm>>
      tpu.enqueue_dma source(%dma_start3A_16 : memref<640x128xf32, #tpu.memory_space<hbm>>) target(%dma_start3A_14 : memref<640x128xf32, #tpu.memory_space<vmem_shared>>) target_semaphore(%run_scoped3A : memref<!tpu.dma_semaphore, #tpu.memory_space<semaphore_mem>>)
      %dma_wait3A = arith.constant 0 : i32
      %dma_wait3A_17 = tpu.memref_slice %arg11[%mul3A_4, %dma_wait3A] : memref<10240x128xf32, #tpu.memory_space<vmem_shared>> -> memref<640x128xf32, #tpu.memory_space<vmem_shared>>
      %dma_wait3A_18 = arith.constant 0 : i32
      %dma_wait3A_19 = tpu.memref_slice %arg5[%mul3A_2, %dma_wait3A_18] : memref<10240x128xf32, #tpu.memory_space<hbm>> -> memref<640x128xf32, #tpu.memory_space<hbm>>
      tpu.wait_dma2 semaphore(%run_scoped3A : memref<!tpu.dma_semaphore, #tpu.memory_space<semaphore_mem>>) src(%dma_wait3A_19 : memref<640x128xf32, #tpu.memory_space<hbm>>) dst(%dma_wait3A_17 : memref<640x128xf32, #tpu.memory_space<vmem_shared>>)
      tpu.yield
    }) : () -> ()
    %barrier3A = arith.constant 0 : index
    tpu.barrier barrier_id(%barrier3A)
    %scan3A = arith.constant 0 : i32
    %scan3A_5 = arith.constant 5 : i32
    %scan3A_6 = arith.addi %scan3A, %scan3A_5 : i32
    %scan3A_7 = arith.constant 1 : i32
    scf.for %scan3A_14 = %scan3A to %scan3A_6 step %scan3A_7  : i32 {
      %mul3A_15 = arith.constant 1 : i32
      %mul3A_16 = arith.muli %scan3A_14, %mul3A_15 : i32
      %add3A_17 = arith.constant 0 : i32
      %add3A_18 = arith.addi %add3A_17, %mul3A_16 : i32
      %mul3A_19 = arith.constant 16 : i32
      %mul3A_20 = arith.muli %add3A_18, %mul3A_19 : i32
      "tpu.region"() ({
        %run_scoped3A = tpu.sem_alloc : memref<!tpu.dma_semaphore, #tpu.memory_space<semaphore_mem>>
        %dma_start3A_40 = arith.constant 0 : i32
        %dma_start3A_41 = tpu.memref_slice %arg3[%add3A, %mul3A_20, %dma_start3A_40] : memref<32x80x128xi32, #tpu.memory_space<hbm>> -> memref<1x16x128xi32, #tpu.memory_space<hbm>>
        %dma_start3A_42 = tpu.memref_squeeze %dma_start3A_41 : memref<1x16x128xi32, #tpu.memory_space<hbm>> -> memref<16x128xi32, #tpu.memory_space<hbm>>
        %dma_start3A_43 = arith.constant 0 : i32
        %dma_start3A_44 = tpu.memref_slice %arg3[%add3A, %mul3A_20, %dma_start3A_43] : memref<32x80x128xi32, #tpu.memory_space<hbm>> -> memref<1x16x128xi32, #tpu.memory_space<hbm>>
        %dma_start3A_45 = tpu.memref_squeeze %dma_start3A_44 : memref<1x16x128xi32, #tpu.memory_space<hbm>> -> memref<16x128xi32, #tpu.memory_space<hbm>>
        tpu.enqueue_dma source(%dma_start3A_45 : memref<16x128xi32, #tpu.memory_space<hbm>>) target(%arg7 : memref<16x128xi32, #tpu.memory_space<vmem>>) target_semaphore(%run_scoped3A : memref<!tpu.dma_semaphore, #tpu.memory_space<semaphore_mem>>)
        %dma_wait3A_46 = arith.constant 0 : i32
        %dma_wait3A_47 = tpu.memref_slice %arg3[%add3A, %mul3A_20, %dma_wait3A_46] : memref<32x80x128xi32, #tpu.memory_space<hbm>> -> memref<1x16x128xi32, #tpu.memory_space<hbm>>
        %dma_wait3A_48 = tpu.memref_squeeze %dma_wait3A_47 : memref<1x16x128xi32, #tpu.memory_space<hbm>> -> memref<16x128xi32, #tpu.memory_space<hbm>>
        %dma_wait3A_49 = arith.constant 0 : i32
        %dma_wait3A_50 = tpu.memref_slice %arg3[%add3A, %mul3A_20, %dma_wait3A_49] : memref<32x80x128xi32, #tpu.memory_space<hbm>> -> memref<1x16x128xi32, #tpu.memory_space<hbm>>
        %dma_wait3A_51 = tpu.memref_squeeze %dma_wait3A_50 : memref<1x16x128xi32, #tpu.memory_space<hbm>> -> memref<16x128xi32, #tpu.memory_space<hbm>>
        tpu.wait_dma2 semaphore(%run_scoped3A : memref<!tpu.dma_semaphore, #tpu.memory_space<semaphore_mem>>) src(%dma_wait3A_51 : memref<16x128xi32, #tpu.memory_space<hbm>>) dst(%arg7 : memref<16x128xi32, #tpu.memory_space<vmem>>)
        tpu.yield
      }) : () -> ()
      %mul3A_21 = arith.constant 16 : i32
      %mul3A_22 = arith.muli %add3A_18, %mul3A_21 : i32
      "tpu.region"() ({
        %run_scoped3A = tpu.sem_alloc : memref<!tpu.dma_semaphore, #tpu.memory_space<semaphore_mem>>
        %dma_start3A_40 = arith.constant 0 : i32
        %dma_start3A_41 = tpu.memref_slice %arg4[%add3A, %mul3A_22, %dma_start3A_40] : memref<32x80x128xi32, #tpu.memory_space<hbm>> -> memref<1x16x128xi32, #tpu.memory_space<hbm>>
        %dma_start3A_42 = tpu.memref_squeeze %dma_start3A_41 : memref<1x16x128xi32, #tpu.memory_space<hbm>> -> memref<16x128xi32, #tpu.memory_space<hbm>>
        %dma_start3A_43 = arith.constant 0 : i32
        %dma_start3A_44 = tpu.memref_slice %arg4[%add3A, %mul3A_22, %dma_start3A_43] : memref<32x80x128xi32, #tpu.memory_space<hbm>> -> memref<1x16x128xi32, #tpu.memory_space<hbm>>
        %dma_start3A_45 = tpu.memref_squeeze %dma_start3A_44 : memref<1x16x128xi32, #tpu.memory_space<hbm>> -> memref<16x128xi32, #tpu.memory_space<hbm>>
        tpu.enqueue_dma source(%dma_start3A_45 : memref<16x128xi32, #tpu.memory_space<hbm>>) target(%arg8 : memref<16x128xi32, #tpu.memory_space<vmem>>) target_semaphore(%run_scoped3A : memref<!tpu.dma_semaphore, #tpu.memory_space<semaphore_mem>>)
        %dma_wait3A_46 = arith.constant 0 : i32
        %dma_wait3A_47 = tpu.memref_slice %arg4[%add3A, %mul3A_22, %dma_wait3A_46] : memref<32x80x128xi32, #tpu.memory_space<hbm>> -> memref<1x16x128xi32, #tpu.memory_space<hbm>>
        %dma_wait3A_48 = tpu.memref_squeeze %dma_wait3A_47 : memref<1x16x128xi32, #tpu.memory_space<hbm>> -> memref<16x128xi32, #tpu.memory_space<hbm>>
        %dma_wait3A_49 = arith.constant 0 : i32
        %dma_wait3A_50 = tpu.memref_slice %arg4[%add3A, %mul3A_22, %dma_wait3A_49] : memref<32x80x128xi32, #tpu.memory_space<hbm>> -> memref<1x16x128xi32, #tpu.memory_space<hbm>>
        %dma_wait3A_51 = tpu.memref_squeeze %dma_wait3A_50 : memref<1x16x128xi32, #tpu.memory_space<hbm>> -> memref<16x128xi32, #tpu.memory_space<hbm>>
        tpu.wait_dma2 semaphore(%run_scoped3A : memref<!tpu.dma_semaphore, #tpu.memory_space<semaphore_mem>>) src(%dma_wait3A_51 : memref<16x128xi32, #tpu.memory_space<hbm>>) dst(%arg8 : memref<16x128xi32, #tpu.memory_space<vmem>>)
        tpu.yield
      }) : () -> ()
      %dma_start3A = arith.constant 0 : i32
      %dma_start3A_23 = arith.constant 0 : i32
      %dma_start3A_24 = tpu.memref_slice %arg7[%dma_start3A, %dma_start3A_23] : memref<16x128xi32, #tpu.memory_space<vmem>> -> memref<1x128xi32, #tpu.memory_space<vmem>>
      %dma_start3A_25 = tpu.memref_squeeze %dma_start3A_24 : memref<1x128xi32, #tpu.memory_space<vmem>> -> memref<128xi32, #tpu.memory_space<vmem>>
      %dma_start3A_26 = arith.constant 0 : i32
      %dma_start3A_27 = arith.constant 0 : i32
      %dma_start3A_28 = tpu.memref_slice %arg2[%dma_start3A_26, %dma_start3A_27] : memref<10240x128xf32, #tpu.memory_space<hbm>> -> memref<10240x128xf32, #tpu.memory_space<hbm>>
      tpu.enqueue_indirect_dma source(%dma_start3A_28 : memref<10240x128xf32, #tpu.memory_space<hbm>>) target(%arg9 : memref<128x128xf32, #tpu.memory_space<vmem>>) offsets(%dma_start3A_25 : memref<128xi32, #tpu.memory_space<vmem>>) semaphore(%arg12 : memref<!tpu.dma_semaphore, #tpu.memory_space<semaphore_mem>>)
      %scan3A_29 = arith.constant 0 : i32
      %scan3A_30 = arith.constant 8 : i32
      %scan3A_31 = arith.addi %scan3A_29, %scan3A_30 : i32
      %scan3A_32 = arith.constant 1 : i32
      scf.for %scan3A_40 = %scan3A_29 to %scan3A_31 step %scan3A_32  : i32 {
        %mul3A_41 = arith.constant 1 : i32
        %mul3A_42 = arith.muli %scan3A_40, %mul3A_41 : i32
        %add3A_43 = arith.constant 0 : i32
        %add3A_44 = arith.addi %add3A_43, %mul3A_42 : i32
        %mul3A_45 = arith.constant 2 : i32
        %mul3A_46 = arith.muli %add3A_44, %mul3A_45 : i32
        %add3A_47 = arith.constant 0 : i32
        %add3A_48 = arith.addi %mul3A_46, %add3A_47 : i32
        %ge3A = arith.constant 1 : i32
        %ge3A_49 = arith.cmpi sge, %add3A_48, %ge3A : i32
        %convert_element_type3A = arith.extui %ge3A_49 : i1 to i32
        %cond3A = arith.constant 0 : i32
        %cond3A_50 = arith.cmpi ne, %convert_element_type3A, %cond3A : i32
        scf.if %cond3A_50 {
          %sub3A = arith.constant 1 : i32
          %sub3A_97 = arith.subi %add3A_48, %sub3A : i32
          %dma_wait3A_98 = arith.constant 0 : i32
          %dma_wait3A_99 = tpu.memref_slice %arg8[%sub3A_97, %dma_wait3A_98] : memref<16x128xi32, #tpu.memory_space<vmem>> -> memref<1x128xi32, #tpu.memory_space<vmem>>
          %dma_wait3A_100 = tpu.memref_squeeze %dma_wait3A_99 : memref<1x128xi32, #tpu.memory_space<vmem>> -> memref<128xi32, #tpu.memory_space<vmem>>
          %dma_wait3A_101 = arith.constant 0 : i32
          %dma_wait3A_102 = arith.constant 0 : i32
          %dma_wait3A_103 = tpu.memref_slice %arg11[%dma_wait3A_101, %dma_wait3A_102] : memref<10240x128xf32, #tpu.memory_space<vmem_shared>> -> memref<10240x128xf32, #tpu.memory_space<vmem_shared>>
          tpu.wait_indirect_dma semaphore(%arg15 : memref<!tpu.dma_semaphore, #tpu.memory_space<semaphore_mem>>) src(%arg10 : memref<128x128xf32, #tpu.memory_space<vmem>>) dst(%dma_wait3A_103 : memref<10240x128xf32, #tpu.memory_space<vmem_shared>>)
        } else {
        }
        %add3A_51 = arith.constant 1 : i32
        %add3A_52 = arith.addi %add3A_48, %add3A_51 : i32
        %lt3A = arith.constant 16 : i32
        %lt3A_53 = arith.cmpi slt, %add3A_52, %lt3A : i32
        %convert_element_type3A_54 = arith.extui %lt3A_53 : i1 to i32
        %cond3A_55 = arith.constant 0 : i32
        %cond3A_56 = arith.cmpi ne, %convert_element_type3A_54, %cond3A_55 : i32
        scf.if %cond3A_56 {
          %add3A_97 = arith.constant 1 : i32
          %add3A_98 = arith.addi %add3A_48, %add3A_97 : i32
          %dma_start3A_99 = arith.constant 0 : i32
          %dma_start3A_100 = tpu.memref_slice %arg7[%add3A_98, %dma_start3A_99] : memref<16x128xi32, #tpu.memory_space<vmem>> -> memref<1x128xi32, #tpu.memory_space<vmem>>
          %dma_start3A_101 = tpu.memref_squeeze %dma_start3A_100 : memref<1x128xi32, #tpu.memory_space<vmem>> -> memref<128xi32, #tpu.memory_space<vmem>>
          %dma_start3A_102 = arith.constant 0 : i32
          %dma_start3A_103 = arith.constant 0 : i32
          %dma_start3A_104 = tpu.memref_slice %arg2[%dma_start3A_102, %dma_start3A_103] : memref<10240x128xf32, #tpu.memory_space<hbm>> -> memref<10240x128xf32, #tpu.memory_space<hbm>>
          tpu.enqueue_indirect_dma source(%dma_start3A_104 : memref<10240x128xf32, #tpu.memory_space<hbm>>) target(%arg10 : memref<128x128xf32, #tpu.memory_space<vmem>>) offsets(%dma_start3A_101 : memref<128xi32, #tpu.memory_space<vmem>>) semaphore(%arg13 : memref<!tpu.dma_semaphore, #tpu.memory_space<semaphore_mem>>)
        } else {
        }
        %dma_wait3A_57 = arith.constant 0 : i32
        %dma_wait3A_58 = tpu.memref_slice %arg7[%add3A_48, %dma_wait3A_57] : memref<16x128xi32, #tpu.memory_space<vmem>> -> memref<1x128xi32, #tpu.memory_space<vmem>>
        %dma_wait3A_59 = tpu.memref_squeeze %dma_wait3A_58 : memref<1x128xi32, #tpu.memory_space<vmem>> -> memref<128xi32, #tpu.memory_space<vmem>>
        %dma_wait3A_60 = arith.constant 0 : i32
        %dma_wait3A_61 = arith.constant 0 : i32
        %dma_wait3A_62 = tpu.memref_slice %arg2[%dma_wait3A_60, %dma_wait3A_61] : memref<10240x128xf32, #tpu.memory_space<hbm>> -> memref<10240x128xf32, #tpu.memory_space<hbm>>
        tpu.wait_indirect_dma semaphore(%arg12 : memref<!tpu.dma_semaphore, #tpu.memory_space<semaphore_mem>>) src(%dma_wait3A_62 : memref<10240x128xf32, #tpu.memory_space<hbm>>) dst(%arg9 : memref<128x128xf32, #tpu.memory_space<vmem>>)
        %dma_start3A_63 = arith.constant 0 : i32
        %dma_start3A_64 = tpu.memref_slice %arg8[%add3A_48, %dma_start3A_63] : memref<16x128xi32, #tpu.memory_space<vmem>> -> memref<1x128xi32, #tpu.memory_space<vmem>>
        %dma_start3A_65 = tpu.memref_squeeze %dma_start3A_64 : memref<1x128xi32, #tpu.memory_space<vmem>> -> memref<128xi32, #tpu.memory_space<vmem>>
        %dma_start3A_66 = arith.constant 0 : i32
        %dma_start3A_67 = arith.constant 0 : i32
        %dma_start3A_68 = tpu.memref_slice %arg11[%dma_start3A_66, %dma_start3A_67] : memref<10240x128xf32, #tpu.memory_space<vmem_shared>> -> memref<10240x128xf32, #tpu.memory_space<vmem_shared>>
        tpu.enqueue_indirect_dma source(%arg9 : memref<128x128xf32, #tpu.memory_space<vmem>>) target(%dma_start3A_68 : memref<10240x128xf32, #tpu.memory_space<vmem_shared>>) offsets(%dma_start3A_65 : memref<128xi32, #tpu.memory_space<vmem>>) semaphore(%arg14 : memref<!tpu.dma_semaphore, #tpu.memory_space<semaphore_mem>>) {add = true}
        %mul3A_69 = arith.constant 2 : i32
        %mul3A_70 = arith.muli %add3A_44, %mul3A_69 : i32
        %add3A_71 = arith.constant 1 : i32
        %add3A_72 = arith.addi %mul3A_70, %add3A_71 : i32
        %ge3A_73 = arith.constant 1 : i32
        %ge3A_74 = arith.cmpi sge, %add3A_72, %ge3A_73 : i32
        %convert_element_type3A_75 = arith.extui %ge3A_74 : i1 to i32
        %cond3A_76 = arith.constant 0 : i32
        %cond3A_77 = arith.cmpi ne, %convert_element_type3A_75, %cond3A_76 : i32
        scf.if %cond3A_77 {
          %sub3A = arith.constant 1 : i32
          %sub3A_97 = arith.subi %add3A_72, %sub3A : i32
          %dma_wait3A_98 = arith.constant 0 : i32
          %dma_wait3A_99 = tpu.memref_slice %arg8[%sub3A_97, %dma_wait3A_98] : memref<16x128xi32, #tpu.memory_space<vmem>> -> memref<1x128xi32, #tpu.memory_space<vmem>>
          %dma_wait3A_100 = tpu.memref_squeeze %dma_wait3A_99 : memref<1x128xi32, #tpu.memory_space<vmem>> -> memref<128xi32, #tpu.memory_space<vmem>>
          %dma_wait3A_101 = arith.constant 0 : i32
          %dma_wait3A_102 = arith.constant 0 : i32
          %dma_wait3A_103 = tpu.memref_slice %arg11[%dma_wait3A_101, %dma_wait3A_102] : memref<10240x128xf32, #tpu.memory_space<vmem_shared>> -> memref<10240x128xf32, #tpu.memory_space<vmem_shared>>
          tpu.wait_indirect_dma semaphore(%arg14 : memref<!tpu.dma_semaphore, #tpu.memory_space<semaphore_mem>>) src(%arg9 : memref<128x128xf32, #tpu.memory_space<vmem>>) dst(%dma_wait3A_103 : memref<10240x128xf32, #tpu.memory_space<vmem_shared>>)
        } else {
        }
        %add3A_78 = arith.constant 1 : i32
        %add3A_79 = arith.addi %add3A_72, %add3A_78 : i32
        %lt3A_80 = arith.constant 16 : i32
        %lt3A_81 = arith.cmpi slt, %add3A_79, %lt3A_80 : i32
        %convert_element_type3A_82 = arith.extui %lt3A_81 : i1 to i32
        %cond3A_83 = arith.constant 0 : i32
        %cond3A_84 = arith.cmpi ne, %convert_element_type3A_82, %cond3A_83 : i32
        scf.if %cond3A_84 {
          %add3A_97 = arith.constant 1 : i32
          %add3A_98 = arith.addi %add3A_72, %add3A_97 : i32
          %dma_start3A_99 = arith.constant 0 : i32
          %dma_start3A_100 = tpu.memref_slice %arg7[%add3A_98, %dma_start3A_99] : memref<16x128xi32, #tpu.memory_space<vmem>> -> memref<1x128xi32, #tpu.memory_space<vmem>>
          %dma_start3A_101 = tpu.memref_squeeze %dma_start3A_100 : memref<1x128xi32, #tpu.memory_space<vmem>> -> memref<128xi32, #tpu.memory_space<vmem>>
          %dma_start3A_102 = arith.constant 0 : i32
          %dma_start3A_103 = arith.constant 0 : i32
          %dma_start3A_104 = tpu.memref_slice %arg2[%dma_start3A_102, %dma_start3A_103] : memref<10240x128xf32, #tpu.memory_space<hbm>> -> memref<10240x128xf32, #tpu.memory_space<hbm>>
          tpu.enqueue_indirect_dma source(%dma_start3A_104 : memref<10240x128xf32, #tpu.memory_space<hbm>>) target(%arg9 : memref<128x128xf32, #tpu.memory_space<vmem>>) offsets(%dma_start3A_101 : memref<128xi32, #tpu.memory_space<vmem>>) semaphore(%arg12 : memref<!tpu.dma_semaphore, #tpu.memory_space<semaphore_mem>>)
        } else {
        }
        %dma_wait3A_85 = arith.constant 0 : i32
        %dma_wait3A_86 = tpu.memref_slice %arg7[%add3A_72, %dma_wait3A_85] : memref<16x128xi32, #tpu.memory_space<vmem>> -> memref<1x128xi32, #tpu.memory_space<vmem>>
        %dma_wait3A_87 = tpu.memref_squeeze %dma_wait3A_86 : memref<1x128xi32, #tpu.memory_space<vmem>> -> memref<128xi32, #tpu.memory_space<vmem>>
        %dma_wait3A_88 = arith.constant 0 : i32
        %dma_wait3A_89 = arith.constant 0 : i32
        %dma_wait3A_90 = tpu.memref_slice %arg2[%dma_wait3A_88, %dma_wait3A_89] : memref<10240x128xf32, #tpu.memory_space<hbm>> -> memref<10240x128xf32, #tpu.memory_space<hbm>>
        tpu.wait_indirect_dma semaphore(%arg13 : memref<!tpu.dma_semaphore, #tpu.memory_space<semaphore_mem>>) src(%dma_wait3A_90 : memref<10240x128xf32, #tpu.memory_space<hbm>>) dst(%arg10 : memref<128x128xf32, #tpu.memory_space<vmem>>)
        %dma_start3A_91 = arith.constant 0 : i32
        %dma_start3A_92 = tpu.memref_slice %arg8[%add3A_72, %dma_start3A_91] : memref<16x128xi32, #tpu.memory_space<vmem>> -> memref<1x128xi32, #tpu.memory_space<vmem>>
        %dma_start3A_93 = tpu.memref_squeeze %dma_start3A_92 : memref<1x128xi32, #tpu.memory_space<vmem>> -> memref<128xi32, #tpu.memory_space<vmem>>
        %dma_start3A_94 = arith.constant 0 : i32
        %dma_start3A_95 = arith.constant 0 : i32
        %dma_start3A_96 = tpu.memref_slice %arg11[%dma_start3A_94, %dma_start3A_95] : memref<10240x128xf32, #tpu.memory_space<vmem_shared>> -> memref<10240x128xf32, #tpu.memory_space<vmem_shared>>
        tpu.enqueue_indirect_dma source(%arg10 : memref<128x128xf32, #tpu.memory_space<vmem>>) target(%dma_start3A_96 : memref<10240x128xf32, #tpu.memory_space<vmem_shared>>) offsets(%dma_start3A_93 : memref<128xi32, #tpu.memory_space<vmem>>) semaphore(%arg15 : memref<!tpu.dma_semaphore, #tpu.memory_space<semaphore_mem>>) {add = true}
      }
      %scan3A_33 = arith.constant 8 : i32
      %dma_wait3A = arith.constant 15 : i32
      %dma_wait3A_34 = arith.constant 0 : i32
      %dma_wait3A_35 = tpu.memref_slice %arg8[%dma_wait3A, %dma_wait3A_34] : memref<16x128xi32, #tpu.memory_space<vmem>> -> memref<1x128xi32, #tpu.memory_space<vmem>>
      %dma_wait3A_36 = tpu.memref_squeeze %dma_wait3A_35 : memref<1x128xi32, #tpu.memory_space<vmem>> -> memref<128xi32, #tpu.memory_space<vmem>>
      %dma_wait3A_37 = arith.constant 0 : i32
      %dma_wait3A_38 = arith.constant 0 : i32
      %dma_wait3A_39 = tpu.memref_slice %arg11[%dma_wait3A_37, %dma_wait3A_38] : memref<10240x128xf32, #tpu.memory_space<vmem_shared>> -> memref<10240x128xf32, #tpu.memory_space<vmem_shared>>
      tpu.wait_indirect_dma semaphore(%arg15 : memref<!tpu.dma_semaphore, #tpu.memory_space<semaphore_mem>>) src(%arg10 : memref<128x128xf32, #tpu.memory_space<vmem>>) dst(%dma_wait3A_39 : memref<10240x128xf32, #tpu.memory_space<vmem_shared>>)
    }
    %scan3A_8 = arith.constant 5 : i32
    %barrier3A_9 = arith.constant 0 : index
    tpu.barrier barrier_id(%barrier3A_9)
    %mul3A_10 = arith.constant 640 : i32
    %mul3A_11 = arith.muli %arg1, %mul3A_10 : i32
    %mul3A_12 = arith.constant 640 : i32
    %mul3A_13 = arith.muli %arg1, %mul3A_12 : i32
    "tpu.region"() ({
      %run_scoped3A = tpu.sem_alloc : memref<!tpu.dma_semaphore, #tpu.memory_space<semaphore_mem>>
      %dma_start3A = arith.constant 0 : i32
      %dma_start3A_14 = tpu.memref_slice %arg6[%arg0, %mul3A_13, %dma_start3A] : memref<2x10240x128xf32, #tpu.memory_space<hbm>> -> memref<1x640x128xf32, #tpu.memory_space<hbm>>
      %dma_start3A_15 = tpu.memref_squeeze %dma_start3A_14 : memref<1x640x128xf32, #tpu.memory_space<hbm>> -> memref<640x128xf32, #tpu.memory_space<hbm>>
      %dma_start3A_16 = arith.constant 0 : i32
      %dma_start3A_17 = tpu.memref_slice %arg11[%mul3A_11, %dma_start3A_16] : memref<10240x128xf32, #tpu.memory_space<vmem_shared>> -> memref<640x128xf32, #tpu.memory_space<vmem_shared>>
      tpu.enqueue_dma source(%dma_start3A_17 : memref<640x128xf32, #tpu.memory_space<vmem_shared>>) target(%dma_start3A_15 : memref<640x128xf32, #tpu.memory_space<hbm>>) target_semaphore(%run_scoped3A : memref<!tpu.dma_semaphore, #tpu.memory_space<semaphore_mem>>)
      %dma_wait3A = arith.constant 0 : i32
      %dma_wait3A_18 = tpu.memref_slice %arg6[%arg0, %mul3A_13, %dma_wait3A] : memref<2x10240x128xf32, #tpu.memory_space<hbm>> -> memref<1x640x128xf32, #tpu.memory_space<hbm>>
      %dma_wait3A_19 = tpu.memref_squeeze %dma_wait3A_18 : memref<1x640x128xf32, #tpu.memory_space<hbm>> -> memref<640x128xf32, #tpu.memory_space<hbm>>
      %dma_wait3A_20 = arith.constant 0 : i32
      %dma_wait3A_21 = tpu.memref_slice %arg11[%mul3A_11, %dma_wait3A_20] : memref<10240x128xf32, #tpu.memory_space<vmem_shared>> -> memref<640x128xf32, #tpu.memory_space<vmem_shared>>
      tpu.wait_dma2 semaphore(%run_scoped3A : memref<!tpu.dma_semaphore, #tpu.memory_space<semaphore_mem>>) src(%dma_wait3A_21 : memref<640x128xf32, #tpu.memory_space<vmem_shared>>) dst(%dma_wait3A_19 : memref<640x128xf32, #tpu.memory_space<hbm>>)
      tpu.yield
    }) : () -> ()
    return
  }
}

#map = affine_map<(d0, d1) -> (0, 0, 0)>
#map1 = affine_map<(d0, d1) -> (0, 0)>
module attributes {stable_mosaic.version = 14 : i64} {
  func.func @_deg_kernel(%arg0: i32, %arg1: i32, %arg2: memref<32x80x128xi32, #tpu.memory_space<hbm>>, %arg3: memref<128x128xf32, #tpu.memory_space<hbm>>, %arg4: memref<10240x128xf32, #tpu.memory_space<hbm>>, %arg5: memref<2x10240x128xf32, #tpu.memory_space<hbm>>, %arg6: memref<80x128xi32, #tpu.memory_space<vmem>>, %arg7: memref<128x128xf32, #tpu.memory_space<vmem>>, %arg8: memref<10240x128xf32, #tpu.memory_space<vmem_shared>>, %arg9: memref<!tpu.dma_semaphore, #tpu.memory_space<semaphore_mem>>, %arg10: memref<!tpu.dma_semaphore, #tpu.memory_space<semaphore_mem>>) attributes {dimension_semantics = [#tpu.dimension_semantics<core_parallel>, #tpu.dimension_semantics<subcore_parallel>], iteration_bounds = array<i64: 2, 16>, scalar_prefetch = 0 : i64, scratch_operands = 5 : i64, tpu.core_type = #tpu.core_type<sc_vector_subcore>, window_params = [{transform_indices = #map}, {transform_indices = #map1}, {transform_indices = #map1}, {transform_indices = #map}]} {
    %mul3A = arith.constant 16 : i32
    %mul3A_0 = arith.muli %arg0, %mul3A : i32
    %add3A = arith.addi %mul3A_0, %arg1 : i32
    "tpu.region"() ({
      %run_scoped3A = tpu.sem_alloc : memref<!tpu.dma_semaphore, #tpu.memory_space<semaphore_mem>>
      %dma_start3A = arith.constant 0 : i32
      %dma_start3A_27 = arith.constant 0 : i32
      %dma_start3A_28 = tpu.memref_slice %arg2[%add3A, %dma_start3A, %dma_start3A_27] : memref<32x80x128xi32, #tpu.memory_space<hbm>> -> memref<1x80x128xi32, #tpu.memory_space<hbm>>
      %dma_start3A_29 = tpu.memref_squeeze %dma_start3A_28 : memref<1x80x128xi32, #tpu.memory_space<hbm>> -> memref<80x128xi32, #tpu.memory_space<hbm>>
      %dma_start3A_30 = arith.constant 0 : i32
      %dma_start3A_31 = arith.constant 0 : i32
      %dma_start3A_32 = tpu.memref_slice %arg2[%add3A, %dma_start3A_30, %dma_start3A_31] : memref<32x80x128xi32, #tpu.memory_space<hbm>> -> memref<1x80x128xi32, #tpu.memory_space<hbm>>
      %dma_start3A_33 = tpu.memref_squeeze %dma_start3A_32 : memref<1x80x128xi32, #tpu.memory_space<hbm>> -> memref<80x128xi32, #tpu.memory_space<hbm>>
      tpu.enqueue_dma source(%dma_start3A_33 : memref<80x128xi32, #tpu.memory_space<hbm>>) target(%arg6 : memref<80x128xi32, #tpu.memory_space<vmem>>) target_semaphore(%run_scoped3A : memref<!tpu.dma_semaphore, #tpu.memory_space<semaphore_mem>>)
      %dma_wait3A_34 = arith.constant 0 : i32
      %dma_wait3A_35 = arith.constant 0 : i32
      %dma_wait3A_36 = tpu.memref_slice %arg2[%add3A, %dma_wait3A_34, %dma_wait3A_35] : memref<32x80x128xi32, #tpu.memory_space<hbm>> -> memref<1x80x128xi32, #tpu.memory_space<hbm>>
      %dma_wait3A_37 = tpu.memref_squeeze %dma_wait3A_36 : memref<1x80x128xi32, #tpu.memory_space<hbm>> -> memref<80x128xi32, #tpu.memory_space<hbm>>
      %dma_wait3A_38 = arith.constant 0 : i32
      %dma_wait3A_39 = arith.constant 0 : i32
      %dma_wait3A_40 = tpu.memref_slice %arg2[%add3A, %dma_wait3A_38, %dma_wait3A_39] : memref<32x80x128xi32, #tpu.memory_space<hbm>> -> memref<1x80x128xi32, #tpu.memory_space<hbm>>
      %dma_wait3A_41 = tpu.memref_squeeze %dma_wait3A_40 : memref<1x80x128xi32, #tpu.memory_space<hbm>> -> memref<80x128xi32, #tpu.memory_space<hbm>>
      tpu.wait_dma2 semaphore(%run_scoped3A : memref<!tpu.dma_semaphore, #tpu.memory_space<semaphore_mem>>) src(%dma_wait3A_41 : memref<80x128xi32, #tpu.memory_space<hbm>>) dst(%arg6 : memref<80x128xi32, #tpu.memory_space<vmem>>)
      tpu.yield
    }) : () -> ()
    "tpu.region"() ({
      %run_scoped3A = tpu.sem_alloc : memref<!tpu.dma_semaphore, #tpu.memory_space<semaphore_mem>>
      tpu.enqueue_dma source(%arg3 : memref<128x128xf32, #tpu.memory_space<hbm>>) target(%arg7 : memref<128x128xf32, #tpu.memory_space<vmem>>) target_semaphore(%run_scoped3A : memref<!tpu.dma_semaphore, #tpu.memory_space<semaphore_mem>>)
      tpu.wait_dma2 semaphore(%run_scoped3A : memref<!tpu.dma_semaphore, #tpu.memory_space<semaphore_mem>>) src(%arg3 : memref<128x128xf32, #tpu.memory_space<hbm>>) dst(%arg7 : memref<128x128xf32, #tpu.memory_space<vmem>>)
      tpu.yield
    }) : () -> ()
    %mul3A_1 = arith.constant 640 : i32
    %mul3A_2 = arith.muli %arg1, %mul3A_1 : i32
    %mul3A_3 = arith.constant 640 : i32
    %mul3A_4 = arith.muli %arg1, %mul3A_3 : i32
    "tpu.region"() ({
      %run_scoped3A = tpu.sem_alloc : memref<!tpu.dma_semaphore, #tpu.memory_space<semaphore_mem>>
      %dma_start3A = arith.constant 0 : i32
      %dma_start3A_27 = tpu.memref_slice %arg8[%mul3A_4, %dma_start3A] : memref<10240x128xf32, #tpu.memory_space<vmem_shared>> -> memref<640x128xf32, #tpu.memory_space<vmem_shared>>
      %dma_start3A_28 = arith.constant 0 : i32
      %dma_start3A_29 = tpu.memref_slice %arg4[%mul3A_2, %dma_start3A_28] : memref<10240x128xf32, #tpu.memory_space<hbm>> -> memref<640x128xf32, #tpu.memory_space<hbm>>
      tpu.enqueue_dma source(%dma_start3A_29 : memref<640x128xf32, #tpu.memory_space<hbm>>) target(%dma_start3A_27 : memref<640x128xf32, #tpu.memory_space<vmem_shared>>) target_semaphore(%run_scoped3A : memref<!tpu.dma_semaphore, #tpu.memory_space<semaphore_mem>>)
      %dma_wait3A_30 = arith.constant 0 : i32
      %dma_wait3A_31 = tpu.memref_slice %arg8[%mul3A_4, %dma_wait3A_30] : memref<10240x128xf32, #tpu.memory_space<vmem_shared>> -> memref<640x128xf32, #tpu.memory_space<vmem_shared>>
      %dma_wait3A_32 = arith.constant 0 : i32
      %dma_wait3A_33 = tpu.memref_slice %arg4[%mul3A_2, %dma_wait3A_32] : memref<10240x128xf32, #tpu.memory_space<hbm>> -> memref<640x128xf32, #tpu.memory_space<hbm>>
      tpu.wait_dma2 semaphore(%run_scoped3A : memref<!tpu.dma_semaphore, #tpu.memory_space<semaphore_mem>>) src(%dma_wait3A_33 : memref<640x128xf32, #tpu.memory_space<hbm>>) dst(%dma_wait3A_31 : memref<640x128xf32, #tpu.memory_space<vmem_shared>>)
      tpu.yield
    }) : () -> ()
    %barrier3A = arith.constant 0 : index
    tpu.barrier barrier_id(%barrier3A)
    %scan3A = arith.constant 0 : i32
    %scan3A_5 = arith.constant 40 : i32
    %scan3A_6 = arith.addi %scan3A, %scan3A_5 : i32
    %scan3A_7 = arith.constant 1 : i32
    scf.for %scan3A_27 = %scan3A to %scan3A_6 step %scan3A_7  : i32 {
      %mul3A_28 = arith.constant 1 : i32
      %mul3A_29 = arith.muli %scan3A_27, %mul3A_28 : i32
      %add3A_30 = arith.constant 0 : i32
      %add3A_31 = arith.addi %add3A_30, %mul3A_29 : i32
      %mul3A_32 = arith.constant 2 : i32
      %mul3A_33 = arith.muli %add3A_31, %mul3A_32 : i32
      %add3A_34 = arith.constant 0 : i32
      %add3A_35 = arith.addi %mul3A_33, %add3A_34 : i32
      %ge3A = arith.constant 2 : i32
      %ge3A_36 = arith.cmpi sge, %add3A_35, %ge3A : i32
      %convert_element_type3A = arith.extui %ge3A_36 : i1 to i32
      %cond3A = arith.constant 0 : i32
      %cond3A_37 = arith.cmpi ne, %convert_element_type3A, %cond3A : i32
      scf.if %cond3A_37 {
        %sub3A = arith.constant 2 : i32
        %sub3A_58 = arith.subi %add3A_35, %sub3A : i32
        %dma_wait3A_59 = arith.constant 0 : i32
        %dma_wait3A_60 = tpu.memref_slice %arg6[%sub3A_58, %dma_wait3A_59] : memref<80x128xi32, #tpu.memory_space<vmem>> -> memref<1x128xi32, #tpu.memory_space<vmem>>
        %dma_wait3A_61 = tpu.memref_squeeze %dma_wait3A_60 : memref<1x128xi32, #tpu.memory_space<vmem>> -> memref<128xi32, #tpu.memory_space<vmem>>
        %dma_wait3A_62 = arith.constant 0 : i32
        %dma_wait3A_63 = arith.constant 0 : i32
        %dma_wait3A_64 = tpu.memref_slice %arg8[%dma_wait3A_62, %dma_wait3A_63] : memref<10240x128xf32, #tpu.memory_space<vmem_shared>> -> memref<10240x128xf32, #tpu.memory_space<vmem_shared>>
        tpu.wait_indirect_dma semaphore(%arg9 : memref<!tpu.dma_semaphore, #tpu.memory_space<semaphore_mem>>) src(%arg7 : memref<128x128xf32, #tpu.memory_space<vmem>>) dst(%dma_wait3A_64 : memref<10240x128xf32, #tpu.memory_space<vmem_shared>>)
      } else {
      }
      %dma_start3A = arith.constant 0 : i32
      %dma_start3A_38 = tpu.memref_slice %arg6[%add3A_35, %dma_start3A] : memref<80x128xi32, #tpu.memory_space<vmem>> -> memref<1x128xi32, #tpu.memory_space<vmem>>
      %dma_start3A_39 = tpu.memref_squeeze %dma_start3A_38 : memref<1x128xi32, #tpu.memory_space<vmem>> -> memref<128xi32, #tpu.memory_space<vmem>>
      %dma_start3A_40 = arith.constant 0 : i32
      %dma_start3A_41 = arith.constant 0 : i32
      %dma_start3A_42 = tpu.memref_slice %arg8[%dma_start3A_40, %dma_start3A_41] : memref<10240x128xf32, #tpu.memory_space<vmem_shared>> -> memref<10240x128xf32, #tpu.memory_space<vmem_shared>>
      tpu.enqueue_indirect_dma source(%arg7 : memref<128x128xf32, #tpu.memory_space<vmem>>) target(%dma_start3A_42 : memref<10240x128xf32, #tpu.memory_space<vmem_shared>>) offsets(%dma_start3A_39 : memref<128xi32, #tpu.memory_space<vmem>>) semaphore(%arg9 : memref<!tpu.dma_semaphore, #tpu.memory_space<semaphore_mem>>) {add = true}
      %mul3A_43 = arith.constant 2 : i32
      %mul3A_44 = arith.muli %add3A_31, %mul3A_43 : i32
      %add3A_45 = arith.constant 1 : i32
      %add3A_46 = arith.addi %mul3A_44, %add3A_45 : i32
      %ge3A_47 = arith.constant 2 : i32
      %ge3A_48 = arith.cmpi sge, %add3A_46, %ge3A_47 : i32
      %convert_element_type3A_49 = arith.extui %ge3A_48 : i1 to i32
      %cond3A_50 = arith.constant 0 : i32
      %cond3A_51 = arith.cmpi ne, %convert_element_type3A_49, %cond3A_50 : i32
      scf.if %cond3A_51 {
        %sub3A = arith.constant 2 : i32
        %sub3A_58 = arith.subi %add3A_46, %sub3A : i32
        %dma_wait3A_59 = arith.constant 0 : i32
        %dma_wait3A_60 = tpu.memref_slice %arg6[%sub3A_58, %dma_wait3A_59] : memref<80x128xi32, #tpu.memory_space<vmem>> -> memref<1x128xi32, #tpu.memory_space<vmem>>
        %dma_wait3A_61 = tpu.memref_squeeze %dma_wait3A_60 : memref<1x128xi32, #tpu.memory_space<vmem>> -> memref<128xi32, #tpu.memory_space<vmem>>
        %dma_wait3A_62 = arith.constant 0 : i32
        %dma_wait3A_63 = arith.constant 0 : i32
        %dma_wait3A_64 = tpu.memref_slice %arg8[%dma_wait3A_62, %dma_wait3A_63] : memref<10240x128xf32, #tpu.memory_space<vmem_shared>> -> memref<10240x128xf32, #tpu.memory_space<vmem_shared>>
        tpu.wait_indirect_dma semaphore(%arg10 : memref<!tpu.dma_semaphore, #tpu.memory_space<semaphore_mem>>) src(%arg7 : memref<128x128xf32, #tpu.memory_space<vmem>>) dst(%dma_wait3A_64 : memref<10240x128xf32, #tpu.memory_space<vmem_shared>>)
      } else {
      }
      %dma_start3A_52 = arith.constant 0 : i32
      %dma_start3A_53 = tpu.memref_slice %arg6[%add3A_46, %dma_start3A_52] : memref<80x128xi32, #tpu.memory_space<vmem>> -> memref<1x128xi32, #tpu.memory_space<vmem>>
      %dma_start3A_54 = tpu.memref_squeeze %dma_start3A_53 : memref<1x128xi32, #tpu.memory_space<vmem>> -> memref<128xi32, #tpu.memory_space<vmem>>
      %dma_start3A_55 = arith.constant 0 : i32
      %dma_start3A_56 = arith.constant 0 : i32
      %dma_start3A_57 = tpu.memref_slice %arg8[%dma_start3A_55, %dma_start3A_56] : memref<10240x128xf32, #tpu.memory_space<vmem_shared>> -> memref<10240x128xf32, #tpu.memory_space<vmem_shared>>
      tpu.enqueue_indirect_dma source(%arg7 : memref<128x128xf32, #tpu.memory_space<vmem>>) target(%dma_start3A_57 : memref<10240x128xf32, #tpu.memory_space<vmem_shared>>) offsets(%dma_start3A_54 : memref<128xi32, #tpu.memory_space<vmem>>) semaphore(%arg10 : memref<!tpu.dma_semaphore, #tpu.memory_space<semaphore_mem>>) {add = true}
    }
    %scan3A_8 = arith.constant 40 : i32
    %dma_wait3A = arith.constant 78 : i32
    %dma_wait3A_9 = arith.constant 0 : i32
    %dma_wait3A_10 = tpu.memref_slice %arg6[%dma_wait3A, %dma_wait3A_9] : memref<80x128xi32, #tpu.memory_space<vmem>> -> memref<1x128xi32, #tpu.memory_space<vmem>>
    %dma_wait3A_11 = tpu.memref_squeeze %dma_wait3A_10 : memref<1x128xi32, #tpu.memory_space<vmem>> -> memref<128xi32, #tpu.memory_space<vmem>>
    %dma_wait3A_12 = arith.constant 0 : i32
    %dma_wait3A_13 = arith.constant 0 : i32
    %dma_wait3A_14 = tpu.memref_slice %arg8[%dma_wait3A_12, %dma_wait3A_13] : memref<10240x128xf32, #tpu.memory_space<vmem_shared>> -> memref<10240x128xf32, #tpu.memory_space<vmem_shared>>
    tpu.wait_indirect_dma semaphore(%arg9 : memref<!tpu.dma_semaphore, #tpu.memory_space<semaphore_mem>>) src(%arg7 : memref<128x128xf32, #tpu.memory_space<vmem>>) dst(%dma_wait3A_14 : memref<10240x128xf32, #tpu.memory_space<vmem_shared>>)
    %dma_wait3A_15 = arith.constant 79 : i32
    %dma_wait3A_16 = arith.constant 0 : i32
    %dma_wait3A_17 = tpu.memref_slice %arg6[%dma_wait3A_15, %dma_wait3A_16] : memref<80x128xi32, #tpu.memory_space<vmem>> -> memref<1x128xi32, #tpu.memory_space<vmem>>
    %dma_wait3A_18 = tpu.memref_squeeze %dma_wait3A_17 : memref<1x128xi32, #tpu.memory_space<vmem>> -> memref<128xi32, #tpu.memory_space<vmem>>
    %dma_wait3A_19 = arith.constant 0 : i32
    %dma_wait3A_20 = arith.constant 0 : i32
    %dma_wait3A_21 = tpu.memref_slice %arg8[%dma_wait3A_19, %dma_wait3A_20] : memref<10240x128xf32, #tpu.memory_space<vmem_shared>> -> memref<10240x128xf32, #tpu.memory_space<vmem_shared>>
    tpu.wait_indirect_dma semaphore(%arg10 : memref<!tpu.dma_semaphore, #tpu.memory_space<semaphore_mem>>) src(%arg7 : memref<128x128xf32, #tpu.memory_space<vmem>>) dst(%dma_wait3A_21 : memref<10240x128xf32, #tpu.memory_space<vmem_shared>>)
    %barrier3A_22 = arith.constant 0 : index
    tpu.barrier barrier_id(%barrier3A_22)
    %mul3A_23 = arith.constant 640 : i32
    %mul3A_24 = arith.muli %arg1, %mul3A_23 : i32
    %mul3A_25 = arith.constant 640 : i32
    %mul3A_26 = arith.muli %arg1, %mul3A_25 : i32
    "tpu.region"() ({
      %run_scoped3A = tpu.sem_alloc : memref<!tpu.dma_semaphore, #tpu.memory_space<semaphore_mem>>
      %dma_start3A = arith.constant 0 : i32
      %dma_start3A_27 = tpu.memref_slice %arg5[%arg0, %mul3A_26, %dma_start3A] : memref<2x10240x128xf32, #tpu.memory_space<hbm>> -> memref<1x640x128xf32, #tpu.memory_space<hbm>>
      %dma_start3A_28 = tpu.memref_squeeze %dma_start3A_27 : memref<1x640x128xf32, #tpu.memory_space<hbm>> -> memref<640x128xf32, #tpu.memory_space<hbm>>
      %dma_start3A_29 = arith.constant 0 : i32
      %dma_start3A_30 = tpu.memref_slice %arg8[%mul3A_24, %dma_start3A_29] : memref<10240x128xf32, #tpu.memory_space<vmem_shared>> -> memref<640x128xf32, #tpu.memory_space<vmem_shared>>
      tpu.enqueue_dma source(%dma_start3A_30 : memref<640x128xf32, #tpu.memory_space<vmem_shared>>) target(%dma_start3A_28 : memref<640x128xf32, #tpu.memory_space<hbm>>) target_semaphore(%run_scoped3A : memref<!tpu.dma_semaphore, #tpu.memory_space<semaphore_mem>>)
      %dma_wait3A_31 = arith.constant 0 : i32
      %dma_wait3A_32 = tpu.memref_slice %arg5[%arg0, %mul3A_26, %dma_wait3A_31] : memref<2x10240x128xf32, #tpu.memory_space<hbm>> -> memref<1x640x128xf32, #tpu.memory_space<hbm>>
      %dma_wait3A_33 = tpu.memref_squeeze %dma_wait3A_32 : memref<1x640x128xf32, #tpu.memory_space<hbm>> -> memref<640x128xf32, #tpu.memory_space<hbm>>
      %dma_wait3A_34 = arith.constant 0 : i32
      %dma_wait3A_35 = tpu.memref_slice %arg8[%mul3A_24, %dma_wait3A_34] : memref<10240x128xf32, #tpu.memory_space<vmem_shared>> -> memref<640x128xf32, #tpu.memory_space<vmem_shared>>
      tpu.wait_dma2 semaphore(%run_scoped3A : memref<!tpu.dma_semaphore, #tpu.memory_space<semaphore_mem>>) src(%dma_wait3A_35 : memref<640x128xf32, #tpu.memory_space<vmem_shared>>) dst(%dma_wait3A_33 : memref<640x128xf32, #tpu.memory_space<hbm>>)
      tpu.yield
    }) : () -> ()
    return
  }
}

#map = affine_map<(d0, d1) -> (0, 0)>
#map1 = affine_map<(d0, d1) -> (0, 0, 0)>
module attributes {stable_mosaic.version = 14 : i64} {
  func.func @agg(%arg0: i32, %arg1: i32, %arg2: memref<10240x128xf32, #tpu.memory_space<hbm>>, %arg3: memref<32x80x128xi32, #tpu.memory_space<hbm>>, %arg4: memref<32x80x128xi32, #tpu.memory_space<hbm>>, %arg5: memref<10240x128xf32, #tpu.memory_space<hbm>>, %arg6: memref<2x10240x128xf32, #tpu.memory_space<hbm>>, %arg7: memref<16x128xi32, #tpu.memory_space<vmem>>, %arg8: memref<16x128xi32, #tpu.memory_space<vmem>>, %arg9: memref<128x128xf32, #tpu.memory_space<vmem>>, %arg10: memref<128x128xf32, #tpu.memory_space<vmem>>, %arg11: memref<10240x128xf32, #tpu.memory_space<vmem_shared>>, %arg12: memref<!tpu.dma_semaphore, #tpu.memory_space<semaphore_mem>>, %arg13: memref<!tpu.dma_semaphore, #tpu.memory_space<semaphore_mem>>, %arg14: memref<!tpu.dma_semaphore, #tpu.memory_space<semaphore_mem>>, %arg15: memref<!tpu.dma_semaphore, #tpu.memory_space<semaphore_mem>>) attributes {dimension_semantics = [#tpu.dimension_semantics<core_parallel>, #tpu.dimension_semantics<subcore_parallel>], iteration_bounds = array<i64: 2, 16>, scalar_prefetch = 0 : i64, scratch_operands = 9 : i64, tpu.core_type = #tpu.core_type<sc_vector_subcore>, window_params = [{transform_indices = #map}, {transform_indices = #map1}, {transform_indices = #map1}, {transform_indices = #map}, {transform_indices = #map1}]} {
    %mul3A = arith.constant 16 : i32
    %mul3A_0 = arith.muli %arg0, %mul3A : i32
    %add3A = arith.addi %mul3A_0, %arg1 : i32
    %mul3A_1 = arith.constant 640 : i32
    %mul3A_2 = arith.muli %arg1, %mul3A_1 : i32
    %mul3A_3 = arith.constant 640 : i32
    %mul3A_4 = arith.muli %arg1, %mul3A_3 : i32
    "tpu.region"() ({
      %run_scoped3A = tpu.sem_alloc : memref<!tpu.dma_semaphore, #tpu.memory_space<semaphore_mem>>
      %dma_start3A = arith.constant 0 : i32
      %dma_start3A_14 = tpu.memref_slice %arg11[%mul3A_4, %dma_start3A] : memref<10240x128xf32, #tpu.memory_space<vmem_shared>> -> memref<640x128xf32, #tpu.memory_space<vmem_shared>>
      %dma_start3A_15 = arith.constant 0 : i32
      %dma_start3A_16 = tpu.memref_slice %arg5[%mul3A_2, %dma_start3A_15] : memref<10240x128xf32, #tpu.memory_space<hbm>> -> memref<640x128xf32, #tpu.memory_space<hbm>>
      tpu.enqueue_dma source(%dma_start3A_16 : memref<640x128xf32, #tpu.memory_space<hbm>>) target(%dma_start3A_14 : memref<640x128xf32, #tpu.memory_space<vmem_shared>>) target_semaphore(%run_scoped3A : memref<!tpu.dma_semaphore, #tpu.memory_space<semaphore_mem>>)
      %dma_wait3A = arith.constant 0 : i32
      %dma_wait3A_17 = tpu.memref_slice %arg11[%mul3A_4, %dma_wait3A] : memref<10240x128xf32, #tpu.memory_space<vmem_shared>> -> memref<640x128xf32, #tpu.memory_space<vmem_shared>>
      %dma_wait3A_18 = arith.constant 0 : i32
      %dma_wait3A_19 = tpu.memref_slice %arg5[%mul3A_2, %dma_wait3A_18] : memref<10240x128xf32, #tpu.memory_space<hbm>> -> memref<640x128xf32, #tpu.memory_space<hbm>>
      tpu.wait_dma2 semaphore(%run_scoped3A : memref<!tpu.dma_semaphore, #tpu.memory_space<semaphore_mem>>) src(%dma_wait3A_19 : memref<640x128xf32, #tpu.memory_space<hbm>>) dst(%dma_wait3A_17 : memref<640x128xf32, #tpu.memory_space<vmem_shared>>)
      tpu.yield
    }) : () -> ()
    %barrier3A = arith.constant 0 : index
    tpu.barrier barrier_id(%barrier3A)
    %scan3A = arith.constant 0 : i32
    %scan3A_5 = arith.constant 5 : i32
    %scan3A_6 = arith.addi %scan3A, %scan3A_5 : i32
    %scan3A_7 = arith.constant 1 : i32
    scf.for %scan3A_14 = %scan3A to %scan3A_6 step %scan3A_7  : i32 {
      %mul3A_15 = arith.constant 1 : i32
      %mul3A_16 = arith.muli %scan3A_14, %mul3A_15 : i32
      %add3A_17 = arith.constant 0 : i32
      %add3A_18 = arith.addi %add3A_17, %mul3A_16 : i32
      %mul3A_19 = arith.constant 16 : i32
      %mul3A_20 = arith.muli %add3A_18, %mul3A_19 : i32
      "tpu.region"() ({
        %run_scoped3A = tpu.sem_alloc : memref<!tpu.dma_semaphore, #tpu.memory_space<semaphore_mem>>
        %dma_start3A_40 = arith.constant 0 : i32
        %dma_start3A_41 = tpu.memref_slice %arg3[%add3A, %mul3A_20, %dma_start3A_40] : memref<32x80x128xi32, #tpu.memory_space<hbm>> -> memref<1x16x128xi32, #tpu.memory_space<hbm>>
        %dma_start3A_42 = tpu.memref_squeeze %dma_start3A_41 : memref<1x16x128xi32, #tpu.memory_space<hbm>> -> memref<16x128xi32, #tpu.memory_space<hbm>>
        %dma_start3A_43 = arith.constant 0 : i32
        %dma_start3A_44 = tpu.memref_slice %arg3[%add3A, %mul3A_20, %dma_start3A_43] : memref<32x80x128xi32, #tpu.memory_space<hbm>> -> memref<1x16x128xi32, #tpu.memory_space<hbm>>
        %dma_start3A_45 = tpu.memref_squeeze %dma_start3A_44 : memref<1x16x128xi32, #tpu.memory_space<hbm>> -> memref<16x128xi32, #tpu.memory_space<hbm>>
        tpu.enqueue_dma source(%dma_start3A_45 : memref<16x128xi32, #tpu.memory_space<hbm>>) target(%arg7 : memref<16x128xi32, #tpu.memory_space<vmem>>) target_semaphore(%run_scoped3A : memref<!tpu.dma_semaphore, #tpu.memory_space<semaphore_mem>>)
        %dma_wait3A_46 = arith.constant 0 : i32
        %dma_wait3A_47 = tpu.memref_slice %arg3[%add3A, %mul3A_20, %dma_wait3A_46] : memref<32x80x128xi32, #tpu.memory_space<hbm>> -> memref<1x16x128xi32, #tpu.memory_space<hbm>>
        %dma_wait3A_48 = tpu.memref_squeeze %dma_wait3A_47 : memref<1x16x128xi32, #tpu.memory_space<hbm>> -> memref<16x128xi32, #tpu.memory_space<hbm>>
        %dma_wait3A_49 = arith.constant 0 : i32
        %dma_wait3A_50 = tpu.memref_slice %arg3[%add3A, %mul3A_20, %dma_wait3A_49] : memref<32x80x128xi32, #tpu.memory_space<hbm>> -> memref<1x16x128xi32, #tpu.memory_space<hbm>>
        %dma_wait3A_51 = tpu.memref_squeeze %dma_wait3A_50 : memref<1x16x128xi32, #tpu.memory_space<hbm>> -> memref<16x128xi32, #tpu.memory_space<hbm>>
        tpu.wait_dma2 semaphore(%run_scoped3A : memref<!tpu.dma_semaphore, #tpu.memory_space<semaphore_mem>>) src(%dma_wait3A_51 : memref<16x128xi32, #tpu.memory_space<hbm>>) dst(%arg7 : memref<16x128xi32, #tpu.memory_space<vmem>>)
        tpu.yield
      }) : () -> ()
      %mul3A_21 = arith.constant 16 : i32
      %mul3A_22 = arith.muli %add3A_18, %mul3A_21 : i32
      "tpu.region"() ({
        %run_scoped3A = tpu.sem_alloc : memref<!tpu.dma_semaphore, #tpu.memory_space<semaphore_mem>>
        %dma_start3A_40 = arith.constant 0 : i32
        %dma_start3A_41 = tpu.memref_slice %arg4[%add3A, %mul3A_22, %dma_start3A_40] : memref<32x80x128xi32, #tpu.memory_space<hbm>> -> memref<1x16x128xi32, #tpu.memory_space<hbm>>
        %dma_start3A_42 = tpu.memref_squeeze %dma_start3A_41 : memref<1x16x128xi32, #tpu.memory_space<hbm>> -> memref<16x128xi32, #tpu.memory_space<hbm>>
        %dma_start3A_43 = arith.constant 0 : i32
        %dma_start3A_44 = tpu.memref_slice %arg4[%add3A, %mul3A_22, %dma_start3A_43] : memref<32x80x128xi32, #tpu.memory_space<hbm>> -> memref<1x16x128xi32, #tpu.memory_space<hbm>>
        %dma_start3A_45 = tpu.memref_squeeze %dma_start3A_44 : memref<1x16x128xi32, #tpu.memory_space<hbm>> -> memref<16x128xi32, #tpu.memory_space<hbm>>
        tpu.enqueue_dma source(%dma_start3A_45 : memref<16x128xi32, #tpu.memory_space<hbm>>) target(%arg8 : memref<16x128xi32, #tpu.memory_space<vmem>>) target_semaphore(%run_scoped3A : memref<!tpu.dma_semaphore, #tpu.memory_space<semaphore_mem>>)
        %dma_wait3A_46 = arith.constant 0 : i32
        %dma_wait3A_47 = tpu.memref_slice %arg4[%add3A, %mul3A_22, %dma_wait3A_46] : memref<32x80x128xi32, #tpu.memory_space<hbm>> -> memref<1x16x128xi32, #tpu.memory_space<hbm>>
        %dma_wait3A_48 = tpu.memref_squeeze %dma_wait3A_47 : memref<1x16x128xi32, #tpu.memory_space<hbm>> -> memref<16x128xi32, #tpu.memory_space<hbm>>
        %dma_wait3A_49 = arith.constant 0 : i32
        %dma_wait3A_50 = tpu.memref_slice %arg4[%add3A, %mul3A_22, %dma_wait3A_49] : memref<32x80x128xi32, #tpu.memory_space<hbm>> -> memref<1x16x128xi32, #tpu.memory_space<hbm>>
        %dma_wait3A_51 = tpu.memref_squeeze %dma_wait3A_50 : memref<1x16x128xi32, #tpu.memory_space<hbm>> -> memref<16x128xi32, #tpu.memory_space<hbm>>
        tpu.wait_dma2 semaphore(%run_scoped3A : memref<!tpu.dma_semaphore, #tpu.memory_space<semaphore_mem>>) src(%dma_wait3A_51 : memref<16x128xi32, #tpu.memory_space<hbm>>) dst(%arg8 : memref<16x128xi32, #tpu.memory_space<vmem>>)
        tpu.yield
      }) : () -> ()
      %dma_start3A = arith.constant 0 : i32
      %dma_start3A_23 = arith.constant 0 : i32
      %dma_start3A_24 = tpu.memref_slice %arg7[%dma_start3A, %dma_start3A_23] : memref<16x128xi32, #tpu.memory_space<vmem>> -> memref<1x128xi32, #tpu.memory_space<vmem>>
      %dma_start3A_25 = tpu.memref_squeeze %dma_start3A_24 : memref<1x128xi32, #tpu.memory_space<vmem>> -> memref<128xi32, #tpu.memory_space<vmem>>
      %dma_start3A_26 = arith.constant 0 : i32
      %dma_start3A_27 = arith.constant 0 : i32
      %dma_start3A_28 = tpu.memref_slice %arg2[%dma_start3A_26, %dma_start3A_27] : memref<10240x128xf32, #tpu.memory_space<hbm>> -> memref<10240x128xf32, #tpu.memory_space<hbm>>
      tpu.enqueue_indirect_dma source(%dma_start3A_28 : memref<10240x128xf32, #tpu.memory_space<hbm>>) target(%arg9 : memref<128x128xf32, #tpu.memory_space<vmem>>) offsets(%dma_start3A_25 : memref<128xi32, #tpu.memory_space<vmem>>) semaphore(%arg12 : memref<!tpu.dma_semaphore, #tpu.memory_space<semaphore_mem>>)
      %scan3A_29 = arith.constant 0 : i32
      %scan3A_30 = arith.constant 8 : i32
      %scan3A_31 = arith.addi %scan3A_29, %scan3A_30 : i32
      %scan3A_32 = arith.constant 1 : i32
      scf.for %scan3A_40 = %scan3A_29 to %scan3A_31 step %scan3A_32  : i32 {
        %mul3A_41 = arith.constant 1 : i32
        %mul3A_42 = arith.muli %scan3A_40, %mul3A_41 : i32
        %add3A_43 = arith.constant 0 : i32
        %add3A_44 = arith.addi %add3A_43, %mul3A_42 : i32
        %mul3A_45 = arith.constant 2 : i32
        %mul3A_46 = arith.muli %add3A_44, %mul3A_45 : i32
        %add3A_47 = arith.constant 0 : i32
        %add3A_48 = arith.addi %mul3A_46, %add3A_47 : i32
        %ge3A = arith.constant 1 : i32
        %ge3A_49 = arith.cmpi sge, %add3A_48, %ge3A : i32
        %convert_element_type3A = arith.extui %ge3A_49 : i1 to i32
        %cond3A = arith.constant 0 : i32
        %cond3A_50 = arith.cmpi ne, %convert_element_type3A, %cond3A : i32
        scf.if %cond3A_50 {
          %sub3A = arith.constant 1 : i32
          %sub3A_97 = arith.subi %add3A_48, %sub3A : i32
          %dma_wait3A_98 = arith.constant 0 : i32
          %dma_wait3A_99 = tpu.memref_slice %arg8[%sub3A_97, %dma_wait3A_98] : memref<16x128xi32, #tpu.memory_space<vmem>> -> memref<1x128xi32, #tpu.memory_space<vmem>>
          %dma_wait3A_100 = tpu.memref_squeeze %dma_wait3A_99 : memref<1x128xi32, #tpu.memory_space<vmem>> -> memref<128xi32, #tpu.memory_space<vmem>>
          %dma_wait3A_101 = arith.constant 0 : i32
          %dma_wait3A_102 = arith.constant 0 : i32
          %dma_wait3A_103 = tpu.memref_slice %arg11[%dma_wait3A_101, %dma_wait3A_102] : memref<10240x128xf32, #tpu.memory_space<vmem_shared>> -> memref<10240x128xf32, #tpu.memory_space<vmem_shared>>
          tpu.wait_indirect_dma semaphore(%arg15 : memref<!tpu.dma_semaphore, #tpu.memory_space<semaphore_mem>>) src(%arg10 : memref<128x128xf32, #tpu.memory_space<vmem>>) dst(%dma_wait3A_103 : memref<10240x128xf32, #tpu.memory_space<vmem_shared>>)
        } else {
        }
        %add3A_51 = arith.constant 1 : i32
        %add3A_52 = arith.addi %add3A_48, %add3A_51 : i32
        %lt3A = arith.constant 16 : i32
        %lt3A_53 = arith.cmpi slt, %add3A_52, %lt3A : i32
        %convert_element_type3A_54 = arith.extui %lt3A_53 : i1 to i32
        %cond3A_55 = arith.constant 0 : i32
        %cond3A_56 = arith.cmpi ne, %convert_element_type3A_54, %cond3A_55 : i32
        scf.if %cond3A_56 {
          %add3A_97 = arith.constant 1 : i32
          %add3A_98 = arith.addi %add3A_48, %add3A_97 : i32
          %dma_start3A_99 = arith.constant 0 : i32
          %dma_start3A_100 = tpu.memref_slice %arg7[%add3A_98, %dma_start3A_99] : memref<16x128xi32, #tpu.memory_space<vmem>> -> memref<1x128xi32, #tpu.memory_space<vmem>>
          %dma_start3A_101 = tpu.memref_squeeze %dma_start3A_100 : memref<1x128xi32, #tpu.memory_space<vmem>> -> memref<128xi32, #tpu.memory_space<vmem>>
          %dma_start3A_102 = arith.constant 0 : i32
          %dma_start3A_103 = arith.constant 0 : i32
          %dma_start3A_104 = tpu.memref_slice %arg2[%dma_start3A_102, %dma_start3A_103] : memref<10240x128xf32, #tpu.memory_space<hbm>> -> memref<10240x128xf32, #tpu.memory_space<hbm>>
          tpu.enqueue_indirect_dma source(%dma_start3A_104 : memref<10240x128xf32, #tpu.memory_space<hbm>>) target(%arg10 : memref<128x128xf32, #tpu.memory_space<vmem>>) offsets(%dma_start3A_101 : memref<128xi32, #tpu.memory_space<vmem>>) semaphore(%arg13 : memref<!tpu.dma_semaphore, #tpu.memory_space<semaphore_mem>>)
        } else {
        }
        %dma_wait3A_57 = arith.constant 0 : i32
        %dma_wait3A_58 = tpu.memref_slice %arg7[%add3A_48, %dma_wait3A_57] : memref<16x128xi32, #tpu.memory_space<vmem>> -> memref<1x128xi32, #tpu.memory_space<vmem>>
        %dma_wait3A_59 = tpu.memref_squeeze %dma_wait3A_58 : memref<1x128xi32, #tpu.memory_space<vmem>> -> memref<128xi32, #tpu.memory_space<vmem>>
        %dma_wait3A_60 = arith.constant 0 : i32
        %dma_wait3A_61 = arith.constant 0 : i32
        %dma_wait3A_62 = tpu.memref_slice %arg2[%dma_wait3A_60, %dma_wait3A_61] : memref<10240x128xf32, #tpu.memory_space<hbm>> -> memref<10240x128xf32, #tpu.memory_space<hbm>>
        tpu.wait_indirect_dma semaphore(%arg12 : memref<!tpu.dma_semaphore, #tpu.memory_space<semaphore_mem>>) src(%dma_wait3A_62 : memref<10240x128xf32, #tpu.memory_space<hbm>>) dst(%arg9 : memref<128x128xf32, #tpu.memory_space<vmem>>)
        %dma_start3A_63 = arith.constant 0 : i32
        %dma_start3A_64 = tpu.memref_slice %arg8[%add3A_48, %dma_start3A_63] : memref<16x128xi32, #tpu.memory_space<vmem>> -> memref<1x128xi32, #tpu.memory_space<vmem>>
        %dma_start3A_65 = tpu.memref_squeeze %dma_start3A_64 : memref<1x128xi32, #tpu.memory_space<vmem>> -> memref<128xi32, #tpu.memory_space<vmem>>
        %dma_start3A_66 = arith.constant 0 : i32
        %dma_start3A_67 = arith.constant 0 : i32
        %dma_start3A_68 = tpu.memref_slice %arg11[%dma_start3A_66, %dma_start3A_67] : memref<10240x128xf32, #tpu.memory_space<vmem_shared>> -> memref<10240x128xf32, #tpu.memory_space<vmem_shared>>
        tpu.enqueue_indirect_dma source(%arg9 : memref<128x128xf32, #tpu.memory_space<vmem>>) target(%dma_start3A_68 : memref<10240x128xf32, #tpu.memory_space<vmem_shared>>) offsets(%dma_start3A_65 : memref<128xi32, #tpu.memory_space<vmem>>) semaphore(%arg14 : memref<!tpu.dma_semaphore, #tpu.memory_space<semaphore_mem>>) {add = true}
        %mul3A_69 = arith.constant 2 : i32
        %mul3A_70 = arith.muli %add3A_44, %mul3A_69 : i32
        %add3A_71 = arith.constant 1 : i32
        %add3A_72 = arith.addi %mul3A_70, %add3A_71 : i32
        %ge3A_73 = arith.constant 1 : i32
        %ge3A_74 = arith.cmpi sge, %add3A_72, %ge3A_73 : i32
        %convert_element_type3A_75 = arith.extui %ge3A_74 : i1 to i32
        %cond3A_76 = arith.constant 0 : i32
        %cond3A_77 = arith.cmpi ne, %convert_element_type3A_75, %cond3A_76 : i32
        scf.if %cond3A_77 {
          %sub3A = arith.constant 1 : i32
          %sub3A_97 = arith.subi %add3A_72, %sub3A : i32
          %dma_wait3A_98 = arith.constant 0 : i32
          %dma_wait3A_99 = tpu.memref_slice %arg8[%sub3A_97, %dma_wait3A_98] : memref<16x128xi32, #tpu.memory_space<vmem>> -> memref<1x128xi32, #tpu.memory_space<vmem>>
          %dma_wait3A_100 = tpu.memref_squeeze %dma_wait3A_99 : memref<1x128xi32, #tpu.memory_space<vmem>> -> memref<128xi32, #tpu.memory_space<vmem>>
          %dma_wait3A_101 = arith.constant 0 : i32
          %dma_wait3A_102 = arith.constant 0 : i32
          %dma_wait3A_103 = tpu.memref_slice %arg11[%dma_wait3A_101, %dma_wait3A_102] : memref<10240x128xf32, #tpu.memory_space<vmem_shared>> -> memref<10240x128xf32, #tpu.memory_space<vmem_shared>>
          tpu.wait_indirect_dma semaphore(%arg14 : memref<!tpu.dma_semaphore, #tpu.memory_space<semaphore_mem>>) src(%arg9 : memref<128x128xf32, #tpu.memory_space<vmem>>) dst(%dma_wait3A_103 : memref<10240x128xf32, #tpu.memory_space<vmem_shared>>)
        } else {
        }
        %add3A_78 = arith.constant 1 : i32
        %add3A_79 = arith.addi %add3A_72, %add3A_78 : i32
        %lt3A_80 = arith.constant 16 : i32
        %lt3A_81 = arith.cmpi slt, %add3A_79, %lt3A_80 : i32
        %convert_element_type3A_82 = arith.extui %lt3A_81 : i1 to i32
        %cond3A_83 = arith.constant 0 : i32
        %cond3A_84 = arith.cmpi ne, %convert_element_type3A_82, %cond3A_83 : i32
        scf.if %cond3A_84 {
          %add3A_97 = arith.constant 1 : i32
          %add3A_98 = arith.addi %add3A_72, %add3A_97 : i32
          %dma_start3A_99 = arith.constant 0 : i32
          %dma_start3A_100 = tpu.memref_slice %arg7[%add3A_98, %dma_start3A_99] : memref<16x128xi32, #tpu.memory_space<vmem>> -> memref<1x128xi32, #tpu.memory_space<vmem>>
          %dma_start3A_101 = tpu.memref_squeeze %dma_start3A_100 : memref<1x128xi32, #tpu.memory_space<vmem>> -> memref<128xi32, #tpu.memory_space<vmem>>
          %dma_start3A_102 = arith.constant 0 : i32
          %dma_start3A_103 = arith.constant 0 : i32
          %dma_start3A_104 = tpu.memref_slice %arg2[%dma_start3A_102, %dma_start3A_103] : memref<10240x128xf32, #tpu.memory_space<hbm>> -> memref<10240x128xf32, #tpu.memory_space<hbm>>
          tpu.enqueue_indirect_dma source(%dma_start3A_104 : memref<10240x128xf32, #tpu.memory_space<hbm>>) target(%arg9 : memref<128x128xf32, #tpu.memory_space<vmem>>) offsets(%dma_start3A_101 : memref<128xi32, #tpu.memory_space<vmem>>) semaphore(%arg12 : memref<!tpu.dma_semaphore, #tpu.memory_space<semaphore_mem>>)
        } else {
        }
        %dma_wait3A_85 = arith.constant 0 : i32
        %dma_wait3A_86 = tpu.memref_slice %arg7[%add3A_72, %dma_wait3A_85] : memref<16x128xi32, #tpu.memory_space<vmem>> -> memref<1x128xi32, #tpu.memory_space<vmem>>
        %dma_wait3A_87 = tpu.memref_squeeze %dma_wait3A_86 : memref<1x128xi32, #tpu.memory_space<vmem>> -> memref<128xi32, #tpu.memory_space<vmem>>
        %dma_wait3A_88 = arith.constant 0 : i32
        %dma_wait3A_89 = arith.constant 0 : i32
        %dma_wait3A_90 = tpu.memref_slice %arg2[%dma_wait3A_88, %dma_wait3A_89] : memref<10240x128xf32, #tpu.memory_space<hbm>> -> memref<10240x128xf32, #tpu.memory_space<hbm>>
        tpu.wait_indirect_dma semaphore(%arg13 : memref<!tpu.dma_semaphore, #tpu.memory_space<semaphore_mem>>) src(%dma_wait3A_90 : memref<10240x128xf32, #tpu.memory_space<hbm>>) dst(%arg10 : memref<128x128xf32, #tpu.memory_space<vmem>>)
        %dma_start3A_91 = arith.constant 0 : i32
        %dma_start3A_92 = tpu.memref_slice %arg8[%add3A_72, %dma_start3A_91] : memref<16x128xi32, #tpu.memory_space<vmem>> -> memref<1x128xi32, #tpu.memory_space<vmem>>
        %dma_start3A_93 = tpu.memref_squeeze %dma_start3A_92 : memref<1x128xi32, #tpu.memory_space<vmem>> -> memref<128xi32, #tpu.memory_space<vmem>>
        %dma_start3A_94 = arith.constant 0 : i32
        %dma_start3A_95 = arith.constant 0 : i32
        %dma_start3A_96 = tpu.memref_slice %arg11[%dma_start3A_94, %dma_start3A_95] : memref<10240x128xf32, #tpu.memory_space<vmem_shared>> -> memref<10240x128xf32, #tpu.memory_space<vmem_shared>>
        tpu.enqueue_indirect_dma source(%arg10 : memref<128x128xf32, #tpu.memory_space<vmem>>) target(%dma_start3A_96 : memref<10240x128xf32, #tpu.memory_space<vmem_shared>>) offsets(%dma_start3A_93 : memref<128xi32, #tpu.memory_space<vmem>>) semaphore(%arg15 : memref<!tpu.dma_semaphore, #tpu.memory_space<semaphore_mem>>) {add = true}
      }
      %scan3A_33 = arith.constant 8 : i32
      %dma_wait3A = arith.constant 15 : i32
      %dma_wait3A_34 = arith.constant 0 : i32
      %dma_wait3A_35 = tpu.memref_slice %arg8[%dma_wait3A, %dma_wait3A_34] : memref<16x128xi32, #tpu.memory_space<vmem>> -> memref<1x128xi32, #tpu.memory_space<vmem>>
      %dma_wait3A_36 = tpu.memref_squeeze %dma_wait3A_35 : memref<1x128xi32, #tpu.memory_space<vmem>> -> memref<128xi32, #tpu.memory_space<vmem>>
      %dma_wait3A_37 = arith.constant 0 : i32
      %dma_wait3A_38 = arith.constant 0 : i32
      %dma_wait3A_39 = tpu.memref_slice %arg11[%dma_wait3A_37, %dma_wait3A_38] : memref<10240x128xf32, #tpu.memory_space<vmem_shared>> -> memref<10240x128xf32, #tpu.memory_space<vmem_shared>>
      tpu.wait_indirect_dma semaphore(%arg15 : memref<!tpu.dma_semaphore, #tpu.memory_space<semaphore_mem>>) src(%arg10 : memref<128x128xf32, #tpu.memory_space<vmem>>) dst(%dma_wait3A_39 : memref<10240x128xf32, #tpu.memory_space<vmem_shared>>)
    }
    %scan3A_8 = arith.constant 5 : i32
    %barrier3A_9 = arith.constant 0 : index
    tpu.barrier barrier_id(%barrier3A_9)
    %mul3A_10 = arith.constant 640 : i32
    %mul3A_11 = arith.muli %arg1, %mul3A_10 : i32
    %mul3A_12 = arith.constant 640 : i32
    %mul3A_13 = arith.muli %arg1, %mul3A_12 : i32
    "tpu.region"() ({
      %run_scoped3A = tpu.sem_alloc : memref<!tpu.dma_semaphore, #tpu.memory_space<semaphore_mem>>
      %dma_start3A = arith.constant 0 : i32
      %dma_start3A_14 = tpu.memref_slice %arg6[%arg0, %mul3A_13, %dma_start3A] : memref<2x10240x128xf32, #tpu.memory_space<hbm>> -> memref<1x640x128xf32, #tpu.memory_space<hbm>>
      %dma_start3A_15 = tpu.memref_squeeze %dma_start3A_14 : memref<1x640x128xf32, #tpu.memory_space<hbm>> -> memref<640x128xf32, #tpu.memory_space<hbm>>
      %dma_start3A_16 = arith.constant 0 : i32
      %dma_start3A_17 = tpu.memref_slice %arg11[%mul3A_11, %dma_start3A_16] : memref<10240x128xf32, #tpu.memory_space<vmem_shared>> -> memref<640x128xf32, #tpu.memory_space<vmem_shared>>
      tpu.enqueue_dma source(%dma_start3A_17 : memref<640x128xf32, #tpu.memory_space<vmem_shared>>) target(%dma_start3A_15 : memref<640x128xf32, #tpu.memory_space<hbm>>) target_semaphore(%run_scoped3A : memref<!tpu.dma_semaphore, #tpu.memory_space<semaphore_mem>>)
      %dma_wait3A = arith.constant 0 : i32
      %dma_wait3A_18 = tpu.memref_slice %arg6[%arg0, %mul3A_13, %dma_wait3A] : memref<2x10240x128xf32, #tpu.memory_space<hbm>> -> memref<1x640x128xf32, #tpu.memory_space<hbm>>
      %dma_wait3A_19 = tpu.memref_squeeze %dma_wait3A_18 : memref<1x640x128xf32, #tpu.memory_space<hbm>> -> memref<640x128xf32, #tpu.memory_space<hbm>>
      %dma_wait3A_20 = arith.constant 0 : i32
      %dma_wait3A_21 = tpu.memref_slice %arg11[%mul3A_11, %dma_wait3A_20] : memref<10240x128xf32, #tpu.memory_space<vmem_shared>> -> memref<640x128xf32, #tpu.memory_space<vmem_shared>>
      tpu.wait_dma2 semaphore(%run_scoped3A : memref<!tpu.dma_semaphore, #tpu.memory_space<semaphore_mem>>) src(%dma_wait3A_21 : memref<640x128xf32, #tpu.memory_space<vmem_shared>>) dst(%dma_wait3A_19 : memref<640x128xf32, #tpu.memory_space<hbm>>)
      tpu.yield
    }) : () -> ()
    return
  }
}

module attributes {stable_mosaic.version = 14 : i64} {
  func.func @_t0_body(%arg0: memref<2x10240x128xf32, #tpu.memory_space<vmem>>, %arg1: memref<10000x128xf32, #tpu.memory_space<vmem>>, %arg2: memref<10240x1xf32, #tpu.memory_space<vmem>>, %arg3: memref<10240x128xf32, #tpu.memory_space<vmem>>) attributes {dimension_semantics = [], scalar_prefetch = 0 : i64, scratch_operands = 0 : i64, tpu.core_type = #tpu.core_type<tc>} {
    %get3A = arith.constant 0 : index
    %get3A_0 = arith.constant 0 : index
    %get3A_1 = arith.constant 0 : index
    %get3A_2 = vector.load %arg0[%get3A, %get3A_0, %get3A_1] : memref<2x10240x128xf32, #tpu.memory_space<vmem>>, vector<1x10240x128xf32>
    %get3A_3 = vector.shape_cast %get3A_2 : vector<1x10240x128xf32> to vector<10240x128xf32>
    %get3A_4 = arith.constant 1 : index
    %get3A_5 = arith.constant 0 : index
    %get3A_6 = arith.constant 0 : index
    %get3A_7 = vector.load %arg0[%get3A_4, %get3A_5, %get3A_6] : memref<2x10240x128xf32, #tpu.memory_space<vmem>>, vector<1x10240x128xf32>
    %get3A_8 = vector.shape_cast %get3A_7 : vector<1x10240x128xf32> to vector<10240x128xf32>
    %add3A = arith.addf %get3A_3, %get3A_8 : vector<10240x128xf32>
    %add3A_9 = arith.constant 1.000000e+00 : f32
    %add3A_10 = vector.broadcast %add3A_9 : f32 to vector<10240x128xf32>
    %add3A_11 = arith.addf %add3A, %add3A_10 : vector<10240x128xf32>
    %rsqrt3A = math.rsqrt %add3A_11 : vector<10240x128xf32>
    %slice3A = vector.extract_strided_slice %rsqrt3A {offsets = [0, 0], sizes = [10240, 1], strides = [1, 1]} : vector<10240x128xf32> to vector<10240x1xf32>
    %swap3A = arith.constant 0 : index
    %swap3A_12 = arith.constant 0 : index
    %swap3A_13 = vector.load %arg2[%swap3A, %swap3A_12] : memref<10240x1xf32, #tpu.memory_space<vmem>>, vector<10240x1xf32>
    tpu.vector_store %arg2[%swap3A, %swap3A_12], %slice3A {strides = array<i32>} : memref<10240x1xf32, #tpu.memory_space<vmem>>, vector<10240x1xf32>,
    %get3A_14 = arith.constant 0 : index
    %get3A_15 = arith.constant 0 : index
    %get3A_16 = vector.load %arg1[%get3A_14, %get3A_15] : memref<10000x128xf32, #tpu.memory_space<vmem>>, vector<10000x128xf32>
    %slice3A_17 = vector.extract_strided_slice %slice3A {offsets = [0, 0], sizes = [10000, 1], strides = [1, 1]} : vector<10240x1xf32> to vector<10000x1xf32>
    %mul3A = vector.broadcast %slice3A_17 : vector<10000x1xf32> to vector<10000x128xf32>
    %mul3A_18 = arith.mulf %get3A_16, %mul3A : vector<10000x128xf32>
    %swap3A_19 = arith.constant 0 : index
    %swap3A_20 = arith.constant 0 : index
    %swap3A_21 = vector.load %arg3[%swap3A_19, %swap3A_20] : memref<10240x128xf32, #tpu.memory_space<vmem>>, vector<10000x128xf32>
    tpu.vector_store %arg3[%swap3A_19, %swap3A_20], %mul3A_18 {strides = array<i32>} : memref<10240x128xf32, #tpu.memory_space<vmem>>, vector<10000x128xf32>,
    %broadcast_in_dim3A = arith.constant 0.000000e+00 : f32
    %broadcast_in_dim3A_22 = vector.broadcast %broadcast_in_dim3A : f32 to vector<240x128xf32>
    %swap3A_23 = arith.constant 10000 : index
    %swap3A_24 = arith.constant 0 : index
    %swap3A_25 = vector.load %arg3[%swap3A_23, %swap3A_24] : memref<10240x128xf32, #tpu.memory_space<vmem>>, vector<240x128xf32>
    tpu.vector_store %arg3[%swap3A_23, %swap3A_24], %broadcast_in_dim3A_22 {strides = array<i32>} : memref<10240x128xf32, #tpu.memory_space<vmem>>, vector<240x128xf32>,
    return
  }
}

module attributes {stable_mosaic.version = 14 : i64} {
  func.func @_t1_body(%arg0: i32, %arg1: memref<2x1280x128xf32, #tpu.memory_space<vmem>>, %arg2: memref<1280x128xf32, #tpu.memory_space<vmem>>, %arg3: memref<1280x1xf32, #tpu.memory_space<vmem>>, %arg4: memref<128x512xf32, #tpu.memory_space<vmem>>, %arg5: memref<1x512xf32, #tpu.memory_space<vmem>>, %arg6: memref<512x128xf32, #tpu.memory_space<vmem>>, %arg7: memref<1280x128xf32, #tpu.memory_space<vmem>>, %arg8: memref<1280x128xf32, #tpu.memory_space<vmem>>) attributes {dimension_semantics = [#tpu.dimension_semantics<arbitrary>], iteration_bounds = array<i64: 8>, scalar_prefetch = 0 : i64, scratch_operands = 0 : i64, tpu.core_type = #tpu.core_type<tc>, window_params = [{transform_indices = @transform_0, window_bounds = array<i64: 2, 1280, 128>}, {transform_indices = @transform_1, window_bounds = array<i64: 1280, 128>}, {transform_indices = @transform_2, window_bounds = array<i64: 1280, 1>}, {pipeline_mode = #tpu.pipeline_mode<synchronous>, transform_indices = @transform_3, window_bounds = array<i64: 128, 512>}, {pipeline_mode = #tpu.pipeline_mode<synchronous>, transform_indices = @transform_4, window_bounds = array<i64: 1, 512>}, {pipeline_mode = #tpu.pipeline_mode<synchronous>, transform_indices = @transform_5, window_bounds = array<i64: 512, 128>}, {transform_indices = @transform_6, window_bounds = array<i64: 1280, 128>}, {transform_indices = @transform_7, window_bounds = array<i64: 1280, 128>}]} {
    %get3A = arith.constant 0 : index
    %get3A_0 = arith.constant 0 : index
    %get3A_1 = vector.load %arg3[%get3A, %get3A_0] : memref<1280x1xf32, #tpu.memory_space<vmem>>, vector<1280x1xf32>
    %get3A_2 = arith.constant 0 : index
    %get3A_3 = arith.constant 0 : index
    %get3A_4 = arith.constant 0 : index
    %get3A_5 = vector.load %arg1[%get3A_2, %get3A_3, %get3A_4] : memref<2x1280x128xf32, #tpu.memory_space<vmem>>, vector<1x1280x128xf32>
    %get3A_6 = vector.shape_cast %get3A_5 : vector<1x1280x128xf32> to vector<1280x128xf32>
    %get3A_7 = arith.constant 1 : index
    %get3A_8 = arith.constant 0 : index
    %get3A_9 = arith.constant 0 : index
    %get3A_10 = vector.load %arg1[%get3A_7, %get3A_8, %get3A_9] : memref<2x1280x128xf32, #tpu.memory_space<vmem>>, vector<1x1280x128xf32>
    %get3A_11 = vector.shape_cast %get3A_10 : vector<1x1280x128xf32> to vector<1280x128xf32>
    %add3A = arith.addf %get3A_6, %get3A_11 : vector<1280x128xf32>
    %mul3A = vector.broadcast %get3A_1 : vector<1280x1xf32> to vector<1280x128xf32>
    %mul3A_12 = arith.mulf %mul3A, %add3A : vector<1280x128xf32>
    %get3A_13 = arith.constant 0 : index
    %get3A_14 = arith.constant 0 : index
    %get3A_15 = vector.load %arg2[%get3A_13, %get3A_14] : memref<1280x128xf32, #tpu.memory_space<vmem>>, vector<1280x128xf32>
    %mul3A_16 = vector.broadcast %get3A_1 : vector<1280x1xf32> to vector<1280x128xf32>
    %mul3A_17 = arith.mulf %mul3A_16, %get3A_15 : vector<1280x128xf32>
    %add3A_18 = arith.addf %mul3A_12, %mul3A_17 : vector<1280x128xf32>
    %get3A_19 = arith.constant 0 : index
    %get3A_20 = arith.constant 0 : index
    %get3A_21 = vector.load %arg4[%get3A_19, %get3A_20] : memref<128x512xf32, #tpu.memory_space<vmem>>, vector<128x512xf32>
    %dot_general3A = arith.constant dense<0.000000e+00> : vector<1280x512xf32>
    %dot_general3A_22 = tpu.matmul %add3A_18, %get3A_21, %dot_general3A {dimension_numbers = #tpu.dot_dimension_numbers<[1], [0], [0], [1], [0, 0, 1, 1], [], []>, transpose_lhs_hint = false} : vector<1280x128xf32>, vector<128x512xf32>, vector<1280x512xf32> -> vector<1280x512xf32>
    %get3A_23 = arith.constant 0 : index
    %get3A_24 = arith.constant 0 : index
    %get3A_25 = vector.load %arg5[%get3A_23, %get3A_24] : memref<1x512xf32, #tpu.memory_space<vmem>>, vector<1x512xf32>
    %add3A_26 = vector.broadcast %get3A_25 : vector<1x512xf32> to vector<1280x512xf32>
    %add3A_27 = arith.addf %dot_general3A_22, %add3A_26 : vector<1280x512xf32>
    %ge3A = arith.constant 0.000000e+00 : f32
    %ge3A_28 = vector.broadcast %ge3A : f32 to vector<1280x512xf32>
    %ge3A_29 = arith.cmpf oge, %add3A_27, %ge3A_28 : vector<1280x512xf32>
    %mul3A_30 = arith.constant 0.00999999977 : f32
    %mul3A_31 = vector.broadcast %mul3A_30 : f32 to vector<1280x512xf32>
    %mul3A_32 = arith.mulf %mul3A_31, %add3A_27 : vector<1280x512xf32>
    %select_n3A = arith.select %ge3A_29, %add3A_27, %mul3A_32 : vector<1280x512xi1>, vector<1280x512xf32>
    %get3A_33 = arith.constant 0 : index
    %get3A_34 = arith.constant 0 : index
    %get3A_35 = vector.load %arg6[%get3A_33, %get3A_34] : memref<512x128xf32, #tpu.memory_space<vmem>>, vector<512x128xf32>
    %dot_general3A_36 = arith.constant dense<0.000000e+00> : vector<1280x128xf32>
    %dot_general3A_37 = tpu.matmul %select_n3A, %get3A_35, %dot_general3A_36 {dimension_numbers = #tpu.dot_dimension_numbers<[1], [0], [0], [1], [0, 0, 1, 1], [], []>, transpose_lhs_hint = false} : vector<1280x512xf32>, vector<512x128xf32>, vector<1280x128xf32> -> vector<1280x128xf32>
    %swap3A = arith.constant 0 : index
    %swap3A_38 = arith.constant 0 : index
    %swap3A_39 = vector.load %arg7[%swap3A, %swap3A_38] : memref<1280x128xf32, #tpu.memory_space<vmem>>, vector<1280x128xf32>
    tpu.vector_store %arg7[%swap3A, %swap3A_38], %dot_general3A_37 {strides = array<i32>} : memref<1280x128xf32, #tpu.memory_space<vmem>>, vector<1280x128xf32>,
    %mul3A_40 = vector.broadcast %get3A_1 : vector<1280x1xf32> to vector<1280x128xf32>
    %mul3A_41 = arith.mulf %dot_general3A_37, %mul3A_40 : vector<1280x128xf32>
    %swap3A_42 = arith.constant 0 : index
    %swap3A_43 = arith.constant 0 : index
    %swap3A_44 = vector.load %arg8[%swap3A_42, %swap3A_43] : memref<1280x128xf32, #tpu.memory_space<vmem>>, vector<1280x128xf32>
    tpu.vector_store %arg8[%swap3A_42, %swap3A_43], %mul3A_41 {strides = array<i32>} : memref<1280x128xf32, #tpu.memory_space<vmem>>, vector<1280x128xf32>,
    return
  }
  func.func @transform_0(%arg0: i32) -> (i32, i32, i32) {
    %c0_i32 = arith.constant 0 : i32
    %c0_i32_0 = arith.constant 0 : i32
    %c0_i32_1 = arith.constant 0 : i32
    return %c0_i32, %arg0, %c0_i32_0 : i32, i32, i32
  }
  func.func @transform_1(%arg0: i32) -> (i32, i32) {
    %c0_i32 = arith.constant 0 : i32
    %c0_i32_0 = arith.constant 0 : i32
    return %arg0, %c0_i32 : i32, i32
  }
  func.func @transform_2(%arg0: i32) -> (i32, i32) {
    %c0_i32 = arith.constant 0 : i32
    %c0_i32_0 = arith.constant 0 : i32
    return %arg0, %c0_i32 : i32, i32
  }
  func.func @transform_3(%arg0: i32) -> (i32, i32) {
    %c0_i32 = arith.constant 0 : i32
    %c0_i32_0 = arith.constant 0 : i32
    %c0_i32_1 = arith.constant 0 : i32
    return %c0_i32, %c0_i32_0 : i32, i32
  }
  func.func @transform_4(%arg0: i32) -> (i32, i32) {
    %c0_i32 = arith.constant 0 : i32
    %c0_i32_0 = arith.constant 0 : i32
    %c0_i32_1 = arith.constant 0 : i32
    return %c0_i32, %c0_i32_0 : i32, i32
  }
  func.func @transform_5(%arg0: i32) -> (i32, i32) {
    %c0_i32 = arith.constant 0 : i32
    %c0_i32_0 = arith.constant 0 : i32
    %c0_i32_1 = arith.constant 0 : i32
    return %c0_i32, %c0_i32_0 : i32, i32
  }
  func.func @transform_6(%arg0: i32) -> (i32, i32) {
    %c0_i32 = arith.constant 0 : i32
    %c0_i32_0 = arith.constant 0 : i32
    return %arg0, %c0_i32 : i32, i32
  }
  func.func @transform_7(%arg0: i32) -> (i32, i32) {
    %c0_i32 = arith.constant 0 : i32
    %c0_i32_0 = arith.constant 0 : i32
    return %arg0, %c0_i32 : i32, i32
  }
}

module attributes {stable_mosaic.version = 14 : i64} {
  func.func @_t2_body(%arg0: memref<2x10240x128xf32, #tpu.memory_space<vmem>>, %arg1: memref<10240x128xf32, #tpu.memory_space<vmem>>, %arg2: memref<10240x1xf32, #tpu.memory_space<vmem>>, %arg3: memref<1x4xf32, #tpu.memory_space<vmem>>, %arg4: memref<10240x4xf32, #tpu.memory_space<vmem>>) attributes {dimension_semantics = [], scalar_prefetch = 0 : i64, scratch_operands = 0 : i64, tpu.core_type = #tpu.core_type<tc>} {
    %get3A = arith.constant 0 : index
    %get3A_0 = arith.constant 0 : index
    %get3A_1 = vector.load %arg2[%get3A, %get3A_0] : memref<10240x1xf32, #tpu.memory_space<vmem>>, vector<10240x1xf32>
    %get3A_2 = arith.constant 0 : index
    %get3A_3 = arith.constant 0 : index
    %get3A_4 = arith.constant 0 : index
    %get3A_5 = vector.load %arg0[%get3A_2, %get3A_3, %get3A_4] : memref<2x10240x128xf32, #tpu.memory_space<vmem>>, vector<1x10240x128xf32>
    %get3A_6 = vector.shape_cast %get3A_5 : vector<1x10240x128xf32> to vector<10240x128xf32>
    %slice3A = vector.extract_strided_slice %get3A_6 {offsets = [0, 0], sizes = [10240, 4], strides = [1, 1]} : vector<10240x128xf32> to vector<10240x4xf32>
    %get3A_7 = arith.constant 1 : index
    %get3A_8 = arith.constant 0 : index
    %get3A_9 = arith.constant 0 : index
    %get3A_10 = vector.load %arg0[%get3A_7, %get3A_8, %get3A_9] : memref<2x10240x128xf32, #tpu.memory_space<vmem>>, vector<1x10240x128xf32>
    %get3A_11 = vector.shape_cast %get3A_10 : vector<1x10240x128xf32> to vector<10240x128xf32>
    %slice3A_12 = vector.extract_strided_slice %get3A_11 {offsets = [0, 0], sizes = [10240, 4], strides = [1, 1]} : vector<10240x128xf32> to vector<10240x4xf32>
    %add3A = arith.addf %slice3A, %slice3A_12 : vector<10240x4xf32>
    %mul3A = vector.broadcast %get3A_1 : vector<10240x1xf32> to vector<10240x4xf32>
    %mul3A_13 = arith.mulf %mul3A, %add3A : vector<10240x4xf32>
    %mul3A_14 = arith.mulf %get3A_1, %get3A_1 : vector<10240x1xf32>
    %get3A_15 = arith.constant 0 : index
    %get3A_16 = arith.constant 0 : index
    %get3A_17 = vector.load %arg1[%get3A_15, %get3A_16] : memref<10240x128xf32, #tpu.memory_space<vmem>>, vector<10240x4xf32>
    %mul3A_18 = vector.broadcast %mul3A_14 : vector<10240x1xf32> to vector<10240x4xf32>
    %mul3A_19 = arith.mulf %mul3A_18, %get3A_17 : vector<10240x4xf32>
    %add3A_20 = arith.addf %mul3A_13, %mul3A_19 : vector<10240x4xf32>
    %get3A_21 = arith.constant 0 : index
    %get3A_22 = arith.constant 0 : index
    %get3A_23 = vector.load %arg3[%get3A_21, %get3A_22] : memref<1x4xf32, #tpu.memory_space<vmem>>, vector<1x4xf32>
    %add3A_24 = vector.broadcast %get3A_23 : vector<1x4xf32> to vector<10240x4xf32>
    %add3A_25 = arith.addf %add3A_20, %add3A_24 : vector<10240x4xf32>
    %reduce_max3A = arith.constant dense<0xFF800000> : vector<10240xf32>
    %reduce_max3A_26 = vector.multi_reduction <maximumf>, %add3A_25, %reduce_max3A [1] : vector<10240x4xf32> to vector<10240xf32>
    %broadcast_in_dim3A = vector.shape_cast %reduce_max3A_26 : vector<10240xf32> to vector<10240x1xf32>
    %sub3A = vector.broadcast %broadcast_in_dim3A : vector<10240x1xf32> to vector<10240x4xf32>
    %sub3A_27 = arith.subf %add3A_25, %sub3A : vector<10240x4xf32>
    %exp3A = math.exp %sub3A_27 : vector<10240x4xf32>
    %sub3A_28 = vector.broadcast %broadcast_in_dim3A : vector<10240x1xf32> to vector<10240x4xf32>
    %sub3A_29 = arith.subf %add3A_25, %sub3A_28 : vector<10240x4xf32>
    %reduce_sum3A = arith.constant dense<0.000000e+00> : vector<10240xf32>
    %reduce_sum3A_30 = vector.multi_reduction <add>, %exp3A, %reduce_sum3A [1] : vector<10240x4xf32> to vector<10240xf32>
    %broadcast_in_dim3A_31 = vector.shape_cast %reduce_sum3A_30 : vector<10240xf32> to vector<10240x1xf32>
    %log3A = math.log %broadcast_in_dim3A_31 : vector<10240x1xf32>
    %sub3A_32 = vector.broadcast %log3A : vector<10240x1xf32> to vector<10240x4xf32>
    %sub3A_33 = arith.subf %sub3A_29, %sub3A_32 : vector<10240x4xf32>
    %swap3A = arith.constant 0 : index
    %swap3A_34 = arith.constant 0 : index
    %swap3A_35 = vector.load %arg4[%swap3A, %swap3A_34] : memref<10240x4xf32, #tpu.memory_space<vmem>>, vector<10240x4xf32>
    tpu.vector_store %arg4[%swap3A, %swap3A_34], %sub3A_33 {strides = array<i32>} : memref<10240x4xf32, #tpu.memory_space<vmem>>, vector<10240x4xf32>,
    return
  }
}

</mosaic_0001>

<sc_bundles>
// kernel: kernel.11.cloned.1.call-start
scs
__scs_entry_jumppad:
0x0: {  	(pc) =	sbr.rel $0x88, $3  }
0x1: {  	(tag) =	ssettag $0x0;
	lr =	simm.s32 $0x1  }
0x2: {  	[smem:$0x3F9B] =	sst lr;
	_ =	strace $0xD0000000  }
0x3: {  	_ = 	snop  }
0x4: {  	_ = 	snop  }
0x5: {  	_ = 	snop  }
0x6: {  	_ = 	snop  }
0x7: {  	_ = 	snop  }
__scs_overlays_trampoline_lowered:
0x8: {  	[smem:$0x3FAA] =	sst s0  }
0x9: {  	[smem:$0x3FAB] =	sst s1  }
0xa: {  	[smem:$0x3FAC] =	sst s2  }
0xb: {  	[smem:$0x3FAD] =	sst s3  }
0xc: {  	[smem:$0x3FAE] =	sst s4  }
0xd: {  	[smem:$0x3FAF] =	sst s5  }
0xe: {  	[smem:$0x3FB0] =	sst s6  }
0xf: {  	[smem:$0x3FB1] =	sst s7  }
0x10: {  	[smem:$0x3FB2] =	sst s8  }
0x11: {  	[smem:$0x3FB3] =	sst s9;
	s0 =	simm.s32 @!p0 $0x0  }
0x12: {  	s1 =	sld [smem:$0x3F99];
	s0 =	simm.s32 @p0 $0x1  }
0x13: {  	[smem:$0x3FB4] =	sst s0;
	s0 =	simm.s32 @!p1 $0x0  }
0x14: {  	s2 =	sld [smem:$0x3F98];
	s0 =	simm.s32 @p1 $0x1  }
0x15: {  	[smem:$0x3FB5] =	sst s0;
	s0 =	simm.s32 @!p2 $0x0  }
0x16: {  	s3 =	sld [smem:$0x3FDB];
	s0 =	simm.s32 @p2 $0x1  }
0x17: {  	s4 =	simm.s32 $0x1BF5;
	[smem:$0x3FB7] =	sst s0  }
0x18: {  	s0 =	sld [smem:$0x3F9A];
	_ =	swait.ge [sflag:s4], $0x0  }
0x19: {  	s7 =	sld [smem:$0x3F9B]  }
0x1a: {  	s8 =	sadd.s32 $0xFFFFE003, lr  }
0x1b: {  	s9 =	sadd.s32 $0xFFFFFEF7, lr;
	s5 =	simm.s32 $0xFFFFFFFF;
	p2 =	slt.u32 s8, $0xFFFFF086  }
0x1c: {  	p1 =	slt.u32 s9, $0xF7A;
	s5 =	simm.s32 @!p2 $0x0  }
0x1d: {  	s5 =	simm.s32 @p1 $0x1;
	p0 =	seq.s32 s7, s2  }
0x1e: {  	s7 =	smul.u32 @!p0 $0xF7A, s2;
	p2 =	seq.s32 @!p0 s5, $0x0  }
0x1f: {  	s9 =	smul.u32 $0xF7A, s1;
	s8 =	simm.s32 @!p0 $0x1BF5;
	p2 =	por !p2, p0  }
0x20: {  	[sflag:s8] =	ssyncset.s32 @!p0 $0xFFFFF086;
	s6 =	sadd.s32 @!p0 s3, s7;
	s7 =	simm.s32 @!p0 $0x108  }
0x21: {  	s3 =	sadd.s32 s3, s9;
	s6 =	sadd.s32 @!p0 $0x88, s6;
	s7 =	simm.s32 @p2 $0x1082  }
0x22: {  	[simem:s7], [sflag:s8] =	dma.local @!p0 [hbm:s6], $0xF7A  }
0x23: {  	s9 =	sor.u32 $0xD0000000, s2;
	s6 =	simm.s32 $0x108;
	_ =	swait.ge @!p0 [sflag:s8], $0x0  }
0x24: {  	s3 =	sadd.s32 $0x88, s3;
	s6 =	simm.s32 @!p1 $0x1082;
	[sflag:s4] =	ssyncset.s32 $0xFFFFF086  }
0x25: {  	[simem:s6], [sflag:s4] =	dma.local [hbm:s3], $0xF7A  }
0x26: {  	[smem:$0x3F9B] =	sst s1;
	(tag) =	ssettag s2;
	_ =	strace s9  }
0x27: {  	s1 =	sld [smem:$0x3FAB]  }
0x28: {  	s2 =	sld [smem:$0x3FAC]  }
0x29: {  	s4 =	sld [smem:$0x3FAE]  }
0x2a: {  	p0 =	seq.s32 s5, $0x0;
	s5 =	sld [smem:$0x3FAF]  }
0x2b: {  	s6 =	sld [smem:$0x3FB0]  }
0x2c: {  	s7 =	sld [smem:$0x3FB1]  }
0x2d: {  	s3 =	simm.s32 $0x108;
	s8 =	sld [smem:$0x3FB2]  }
0x2e: {  	s3 =	simm.s32 @!p0 $0x1082;
	s9 =	sld [smem:$0x3FB3]  }
0x2f: {  	lr =	sadd.s32 s0, s3;
	s0 =	sld [smem:$0x3FAA]  }
0x30: {  	s3 =	sld [smem:$0x3FAD]  }
0x31: {  	[smem:$0x3FB6] =	sst s10  }
0x32: {  	s10 =	sld [smem:$0x3FB4];
	_ =	sdelay $0x3  }
0x33: {  	p0 =	seq.s32 s10, $0x1;
	s10 =	sld [smem:$0x3FB6];
	_ =	sdelay $0x3  }
0x34: {  	[smem:$0x3FB6] =	sst s10  }
0x35: {  	s10 =	sld [smem:$0x3FB5];
	_ =	sdelay $0x3  }
0x36: {  	p1 =	seq.s32 s10, $0x1;
	s10 =	sld [smem:$0x3FB6];
	_ =	sdelay $0x3  }
0x37: {  	[smem:$0x3FB6] =	sst s10  }
0x38: {  	s10 =	sld [smem:$0x3FB7]  }
0x39: {  	_ = 	snop;
	(pc) =	sbr.ind lr, $3  }
0x3a: {  	_ = 	snop  }
0x3b: {  	_ = 	snop  }
0x3c: {  	p2 =	seq.s32 s10, $0x1;
	s10 =	sld [smem:$0x3FB6]  }
0x3d: {  	_ =	shalt  }
0x3e: {  	_ =	shalt  }
0x3f: {  	_ =	shalt  }
0x40: {  	_ =	shalt  }
0x41: {  	_ =	shalt  }
0x42: {  	_ =	shalt  }
0x43: {  	_ =	shalt  }
0x44: {  	_ =	shalt  }
0x45: {  	_ =	shalt  }
0x46: {  	_ =	shalt  }
0x47: {  	_ =	shalt  }
0x48: {  	_ =	shalt  }
0x49: {  	_ =	shalt  }
0x4a: {  	_ =	shalt  }
0x4b: {  	_ =	shalt  }
0x4c: {  	_ =	shalt  }
0x4d: {  	_ =	shalt  }
0x4e: {  	_ =	shalt  }
0x4f: {  	_ =	shalt  }
0x50: {  	_ =	shalt  }
0x51: {  	_ =	shalt  }
0x52: {  	_ =	shalt  }
0x53: {  	_ =	shalt  }
0x54: {  	_ =	shalt  }
0x55: {  	_ =	shalt  }
0x56: {  	_ =	shalt  }
0x57: {  	_ =	shalt  }
0x58: {  	_ =	shalt  }
0x59: {  	_ =	shalt  }
0x5a: {  	_ =	shalt  }
0x5b: {  	_ =	shalt  }
0x5c: {  	_ =	shalt  }
0x5d: {  	_ =	shalt  }
0x5e: {  	_ =	shalt  }
0x5f: {  	_ =	shalt  }
0x60: {  	_ =	shalt  }
0x61: {  	_ =	shalt  }
0x62: {  	_ =	shalt  }
0x63: {  	_ =	shalt  }
0x64: {  	_ =	shalt  }
0x65: {  	_ =	shalt  }
0x66: {  	_ =	shalt  }
0x67: {  	_ =	shalt  }
0x68: {  	_ =	shalt  }
0x69: {  	_ =	shalt  }
0x6a: {  	_ =	shalt  }
0x6b: {  	_ =	shalt  }
0x6c: {  	_ =	shalt  }
0x6d: {  	_ =	shalt  }
0x6e: {  	_ =	shalt  }
0x6f: {  	_ =	shalt  }
0x70: {  	_ =	shalt  }
0x71: {  	_ =	shalt  }
0x72: {  	_ =	shalt  }
0x73: {  	_ =	shalt  }
0x74: {  	_ =	shalt  }
0x75: {  	_ =	shalt  }
0x76: {  	_ =	shalt  }
0x77: {  	_ =	shalt  }
0x78: {  	_ =	shalt  }
0x79: {  	_ =	shalt  }
0x7a: {  	_ =	shalt  }
0x7b: {  	_ =	shalt  }
0x7c: {  	_ =	shalt  }
0x7d: {  	_ =	shalt  }
0x7e: {  	_ =	shalt  }
0x7f: {  	_ =	shalt  }
0x80: {  	_ =	shalt  }
0x81: {  	_ =	shalt  }
0x82: {  	_ =	shalt  }
0x83: {  	_ =	shalt  }
0x84: {  	_ =	shalt  }
0x85: {  	_ =	shalt  }
0x86: {  	_ =	shalt  }
0x87: {  	_ =	shalt  }
.Lfunc_end0:
.L_simem_size_0:
called_computation.1_lowered:
.L_overlay_start_0:
0x88: {  	s2 =	sld [smem:$0x3FD9]  }
0x89: {  	s3 =	sld [smem:$0x3FFE];
	_ =	sdelay $0x1  }
0x8a: {  	s1 =	srdreg.scid  }
0x8b: {  	s0 =	sand.u32 $0x1, s1  }
0x8c: {  	s16 =	sshll.u32 s0, $0xA;
	s2 =	sadd.s32 s3, s2  }
0x8d: {  	s2 =	sadd.s32 s2, s16  }
0x8e: {  	[smem:$0x3FC2] =	sst s2  }
0x8f: {  	_ = 	snop  }
0x90: {  	(tm) =	ssettm $0x1  }
0x91: {  	s17 =	sld [smem:$0x3FFB];
	_ =	sdelay $0x3  }
0x92: {  	_ =	strace s17  }
0x93: {  	s2 =	sld [smem:$0x3FFC];
	_ =	sdelay $0x3  }
0x94: {  	_ =	strace s2  }
0x95: {  	s2 =	sld [smem:$0x3FFD];
	_ =	sdelay $0x3  }
0x96: {  	_ =	strace s2  }
0x97: {  	_ =	strace $0x8FFFFFFF  }
0x98: {  	s18 =	sld [smem:$0x3FDB];
	_ =	sdelay $0x1  }
0x99: {  	s19 =	simm.s32 $_scs_section_size  }
0x9a: {  	s4 =	simm.s32 $_size__tile_overlayer_lowered;
	s5 =	simm.s32 $_tile_overlayer_lowered  }
0x9b: {  	s22 =	simm.s32 $0x1BFF;
	s21 =	sshll.u32 s5, $0x1;
	s2 =	sadd.s32 s19, s18  }
0x9c: {  	s6 =	simm.s32 $0x0;
	s20 =	sshll.u32 s4, $0x1;
	s4 =	sadd.s32 s21, s2  }
0x9d: {  	[timem:s6], [sflag:s22] =	dma.local [hbm:s4], s20  }
0x9e: {  	_ =	swait.ge [sflag:s22], s20  }
0x9f: {  	s3 =	ssub.s32 $0x0, s20;
	[sflag:s22] =	ssyncset.done $0x0  }
0xa0: {  	[sflag:s22] =	ssyncadd.s32 s3;
	_ =	sdelay $0x1  }
0xa1: {  	s23 =	simm.s32 $0x1B8B  }
0xa2: {  	_ =	swait.ge [sflag:s23], $0x1  }
0xa3: {  	[sflag:s23] =	ssyncset.done $0x0  }
0xa4: {  	s25 =	simm.s32 $0x1B8E;
	s24 =	sld [smem:$0x3FFE];
	[sflag:s23] =	ssyncadd.s32 $0xFFFFFFFF  }
0xa5: {  	s26 =	simm.s32 $execute0_lowered;
	[smem:$0x3FD2] =	sst s25  }
0xa6: {  	s4 =	sshll.u32 s26, $0x1;
	_ =	strace $0x80000049;
	[dreg:$0x1] =	wrdreg $0xFFFFFFFF  }
0xa7: {  	s28 =	simm.s32 $_size_execute0_lowered;
	s2 =	sadd.s32 s2, s4;
	[dreg:$0x0] =	wrdreg $0x0  }
0xa8: {  	s4 =	sshll.u32 s28, $0x1;
	[dreg:$0x2] =	wrdreg s2  }
0xa9: {  	[dreg:$0x3] =	wrdreg s4  }
0xaa: {  	[dreg:$0x4] =	wrdreg $0xC0  }
0xab: {  	_ =	task [dreg:s6], $0x5FFFF  }
0xac: {  	[dreg:$0x1] =	wrdreg $0xFFFFFFFF  }
0xad: {  	[dreg:$0x0] =	wrdreg $0x60  }
0xae: {  	[dreg:$0x2] =	wrdreg s24  }
0xaf: {  	[dreg:$0x3] =	wrdreg $0x90000  }
0xb0: {  	[dreg:$0x4] =	wrdreg $0x9  }
0xb1: {  	_ =	task.clear_ibuf [dreg:s6], $0x5FFFF;
	_ =	strace $0x90000049  }
0xb2: {  	s29 =	simm.s32 $0x9;
	_ =	strace $0x8000004B  }
0xb3: {  	_ =	swait.ge [sflag:s29], $0x1  }
0xb4: {  	[sflag:s29] =	ssyncadd.s32 $0xFFFFFFFF  }
0xb5: {  	_ =	strace $0x9000004B  }
0xb6: {  	_ =	sfence  }
0xb7: {  	s30 =	sld [smem:$0x0];
	_ =	sdelay $0x2  }
0xb8: {  	s31 =	sshll.u32 s1, $0xD;
	s1 =	sshrl.u32 s1, $0x2  }
0xb9: {  	s3 =	sand.u32 $0x4000, s31;
	s1 =	sadd.s32 s1, s30  }
0xba: {  	s0 =	sor.u32 s3, s0;
	s1 =	sshll.u32 s1, $0x11  }
0xbb: {  	s0 =	sor.u32 s1, s0  }
0xbc: {  	s0 =	sadd.s32 $0x8F2B, s0  }
0xbd: {  	[sflag:s0] =	ssyncadd.remote.s32 $0x1  }
0xbe: {  	_ =	sfence.sel $0xFFFF  }
0xbf: {  	[dreg:$0x0] =	wrdreg $0xFFFFFFFF;
	(pc) =	sbr.abs _section_cstart, $3  }
0xc0: {  	[dreg:$0x1] =	wrdreg $0xFFFFFFFF  }
0xc1: {  	_ =	task.clear_ibuf [dreg:s6], $0x2FFFF;
	_ =	strace $0x9FFFFFFF  }
0xc2: {  	(tm) =	ssettm $0x7FFFFFFF  }
0xc3: {  	_ =	shalt  }
tec
execute0_lowered:
.L_overlay_start_1:
0x0: {  	(tag) =	ssettag $0x1  }
0x1: {  	s0 =	srdreg.scid;
	s1 =	rddreg [dreg:$0x0]  }
0x2: {  	s9 =	stileid.u32;
	s2 =	rddreg [dreg:$0x1];
	s3 =	simm.s32 $0x0  }
0x3: {  	s12 =	simm.s32 $0x100;
	s14 =	simm.s32 $0x880;
	s15 =	simm.s32 $0x180  }
0x4: {  	s16 =	simm.s32 $0x900;
	s17 =	simm.s32 $0x200;
	s18 =	simm.s32 $0x980  }
0x5: {  	s19 =	simm.s32 $0x280;
	s20 =	simm.s32 $0xA00;
	[smem:$0x7FF] =	sst s3  }
0x6: {  	s21 =	simm.s32 $0x300;
	_ =	strace $0x8000004A;
	[dreg:$0x5] =	wrdreg s12  }
0x7: {  	s22 =	simm.s32 $0xA80;
	s23 =	simm.s32 $0x380;
	[dreg:$0x6] =	wrdreg s14  }
0x8: {  	s24 =	simm.s32 $0xB00;
	s28 =	simm.s32 $0x680;
	[dreg:$0x7] =	wrdreg s15  }
0x9: {  	s29 =	simm.s32 $0xE00;
	s30 =	simm.s32 $0x700;
	[dreg:$0x8] =	wrdreg s16  }
0xa: {  	s31 =	simm.s32 $0xE80;
	s5 =	smul.u32 $0x2800, s9;
	[dreg:$0x9] =	wrdreg s17  }
0xb: {  	s0 =	sand.u32 $0x1, s0;
	s6 =	smul.u32 $0x14000, s9;
	[dreg:$0xa] =	wrdreg s18  }
0xc: {  	s25 =	smul.u32 $0x50000, s9;
	s13 =	sshll.u32 s9, $0x6;
	[dreg:$0xb] =	wrdreg s19  }
0xd: {  	s9 =	simm.s32 $0x0;
	s4 =	smul.u32 $0x28000, s0;
	[dreg:$0xc] =	wrdreg s20  }
0xe: {  	s7 =	smul.u32 $0x140000, s0;
	s0 =	ssub.s32 $0x2, s0;
	[dreg:$0xd] =	wrdreg s21  }
0xf: {  	s12 =	simm.s32 $0x80;
	s14 =	simm.s32 $0x5000;
	[dreg:$0xe] =	wrdreg s22  }
0x10: {  	s15 =	simm.s32 $0x1;
	[dreg:$0xf] =	wrdreg s23;
	s16 =	simm.s32 $0x3  }
0x11: {  	[dreg:$0x10] =	wrdreg s24;
	s17 =	simm.s32 $0x2;
	s18 =	simm.s32 $0x4  }
0x12: {  	s19 =	simm.s32 $0x480;
	s20 =	simm.s32 $0xC00;
	s21 =	simm.s32 $0x500  }
0x13: {  	s22 =	simm.s32 $0xC80;
	s23 =	simm.s32 $0x580;
	s24 =	simm.s32 $0xD00  }
0x14: {  	s8 =	sshrl.u32 s6, $0x3;
	s26 =	sshrl.u32 s0, $0x1;
	s5 =	sadd.s32 s5, s4  }
0x15: {  	s4 =	sadd.s32 $0x3DA00, s1;
	s6 =	sadd.s32 s6, s7;
	s8 =	sadd.s32 s8, s1  }
0x16: {  	s0 =	ssub.s32 s0, s26;
	s7 =	sshrl.u32 s25, $0x2;
	s25 =	simm.s32 $0x400  }
0x17: {  	s26 =	simm.s32 $0xB80;
	s5 =	sshrl.u32 s5, $0x3;
	s6 =	sshrl.u32 s6, $0x3  }
0x18: {  	s11 =	sadd.s32 $0x15A00, s8;
	s0 =	smax.u32 s0, $0x1;
	[dreg:$0x11] =	wrdreg s25  }
0x19: {  	[dreg:$0x12] =	wrdreg s26;
	s25 =	simm.s32 $0x600;
	s26 =	simm.s32 $0xD80  }
0x1a: {  	s5 =	sadd.s32 s5, s1;
	s1 =	sadd.s32 s6, s1;
	[dreg:$0x13] =	wrdreg s11  }
0x1b: {  	s6 =	sadd.s32 s7, s2;
	s7 =	sor.u32 $0x1C05, s13;
	[dreg:$0x16] =	wrdreg s0  }
0x1c: {  	s11 =	simm.s32 $0x800;
	s10 =	sadd.s32 $0x1A00, s5;
	[dreg:$0x14] =	wrdreg s7  }
0x1d: {  	s13 =	simm.s32 $0x1000;
	s5 =	sadd.s32 $0xBA00, s5;
	[dreg:$0x3] =	wrdreg s10  }
0x1e: {  	s0 =	simm.s32 $0xF00;
	s1 =	sadd.s32 $0x65A00, s1;
	[dreg:$0x4] =	wrdreg s5  }
0x1f: {  	s8 =	sshrl.u32 s6, $0x3;
	[dreg:$0x15] =	wrdreg s1;
	s10 =	simm.s32 $0x5  }
0x20: {  	s1 =	simm.s32 $0x780;
	s5 =	simm.s32 $0xF80;
	[dreg:$0x17] =	wrdreg s8  }
.LBB2_1:
0x21: {  	[dreg:$0x18] =	wrdreg s9  }
0x22: {  	s6 =	rddreg [dreg:$0x13]  }
0x23: {  	[spmem:s8], [sflag:s7] =	dma.local [hbm:s6], $0x2800  }
0x24: {  	_ =	swait.ge [sflag:s10], $0x2800  }
0x25: {  	[sflag:s10] =	ssyncset.done $0x0  }
0x26: {  	[sflag:s10] =	ssyncadd.s32 $0xFFFFD800  }
0x27: {  	[bflag:$0x0] =	sbarrier.arrive $0xFFFF  }
0x28: {  	s9 =	rddreg [dreg:$0x4]  }
0x29: {  	s6 =	sadd.s32 $0x0, s9  }
0x2a: {  	[tilespmem:s3], [sflag:$0x5] =	stream.linear.gather [hbm4b:s6+s3], $0x800, $0x38;
	[tilespmem:$0x1D000] =	vst v63  }
0x2b: {  	_ =	swait.ge [sflag:s10], $0x800  }
0x2c: {  	s7 =	rddreg [dreg:$0x3];
	[sflag:s10] =	ssyncset.done $0x0  }
0x2d: {  	[sflag:s10] =	ssyncadd.s32 $0xFFFFF800;
	s6 =	sadd.s32 $0x0, s7  }
0x2e: {  	[tilespmem:s11], [sflag:$0x5] =	stream.linear.gather [hbm4b:s6+s3], $0x800, $0x38;
	[tilespmem:$0x1D000] =	vst v63  }
0x2f: {  	_ =	swait.ge [sflag:s10], $0x800  }
0x30: {  	[sflag:s10] =	ssyncset.done $0x0  }
0x31: {  	[sflag:s10] =	ssyncadd.s32 $0xFFFFF800  }
0x32: {  	[tilespmem:s13], [sflag:$0x1] =	stream.indirect.gather [hbm4b:s4+s12], $0x80, s3, s12, $0xb8;
	[tilespmem:$0x1D000] =	vst v63  }
0x33: {  	_ = 	snop  }
0x34: {  	[tilespmem:s14], [sflag:$0x2] =	stream.indirect.gather [hbm4b:s4+s12], $0x80, s12, s12, $0xb8;
	[tilespmem:$0x1D000] =	vst v63  }
0x35: {  	_ =	swait.ge [sflag:s15], $0x4000  }
0x36: {  	[sflag:s15] =	ssyncset.done $0x0  }
0x37: {  	[sflag:s15] =	ssyncadd.s32 $0xFFFFC000  }
0x38: {  	[spmem:s2] =	stream.indirect.scatter.add.f32 [tilespmem:s13], [sflag:$0x3], $0x80, s11, s12, $0xb8;
	[tilespmem:$0x1D000] =	vst v63  }
0x39: {  	_ =	swait.ge [sflag:s16], $0x4000  }
0x3a: {  	[sflag:s16] =	ssyncset.done $0x0  }
0x3b: {  	s8 =	rddreg [dreg:$0x5];
	[sflag:s16] =	ssyncadd.s32 $0xFFFFC000  }
0x3c: {  	[tilespmem:s13], [sflag:$0x1] =	stream.indirect.gather [hbm4b:s4+s12], $0x80, s8, s12, $0xb8;
	[tilespmem:$0x1D000] =	vst v63  }
0x3d: {  	_ =	swait.ge [sflag:s17], $0x4000  }
0x3e: {  	[sflag:s17] =	ssyncset.done $0x0  }
0x3f: {  	s9 =	rddreg [dreg:$0x6];
	[sflag:s17] =	ssyncadd.s32 $0xFFFFC000  }
0x40: {  	[spmem:s2] =	stream.indirect.scatter.add.f32 [tilespmem:s14], [sflag:$0x4], $0x80, s9, s12, $0xb8;
	[tilespmem:$0x1D000] =	vst v63  }
0x41: {  	_ =	swait.ge [sflag:s18], $0x4000  }
0x42: {  	[sflag:s18] =	ssyncset.done $0x0  }
0x43: {  	s7 =	rddreg [dreg:$0x7];
	[sflag:s18] =	ssyncadd.s32 $0xFFFFC000  }
0x44: {  	[tilespmem:s14], [sflag:$0x2] =	stream.indirect.gather [hbm4b:s4+s12], $0x80, s7, s12, $0xb8;
	[tilespmem:$0x1D000] =	vst v63  }
0x45: {  	_ =	swait.ge [sflag:s15], $0x4000  }
0x46: {  	[sflag:s15] =	ssyncset.done $0x0  }
0x47: {  	s8 =	rddreg [dreg:$0x8];
	[sflag:s15] =	ssyncadd.s32 $0xFFFFC000  }
0x48: {  	[spmem:s2] =	stream.indirect.scatter.add.f32 [tilespmem:s13], [sflag:$0x3], $0x80, s8, s12, $0xb8;
	[tilespmem:$0x1D000] =	vst v63  }
0x49: {  	_ =	swait.ge [sflag:s16], $0x4000  }
0x4a: {  	[sflag:s16] =	ssyncset.done $0x0  }
0x4b: {  	s9 =	rddreg [dreg:$0x9];
	[sflag:s16] =	ssyncadd.s32 $0xFFFFC000  }
0x4c: {  	[tilespmem:s13], [sflag:$0x1] =	stream.indirect.gather [hbm4b:s4+s12], $0x80, s9, s12, $0xb8;
	[tilespmem:$0x1D000] =	vst v63  }
0x4d: {  	_ =	swait.ge [sflag:s17], $0x4000  }
0x4e: {  	[sflag:s17] =	ssyncset.done $0x0  }
0x4f: {  	s7 =	rddreg [dreg:$0xa];
	[sflag:s17] =	ssyncadd.s32 $0xFFFFC000  }
0x50: {  	[spmem:s2] =	stream.indirect.scatter.add.f32 [tilespmem:s14], [sflag:$0x4], $0x80, s7, s12, $0xb8;
	[tilespmem:$0x1D000] =	vst v63  }
0x51: {  	_ =	swait.ge [sflag:s18], $0x4000  }
0x52: {  	[sflag:s18] =	ssyncset.done $0x0  }
0x53: {  	s8 =	rddreg [dreg:$0xb];
	[sflag:s18] =	ssyncadd.s32 $0xFFFFC000  }
0x54: {  	[tilespmem:s14], [sflag:$0x2] =	stream.indirect.gather [hbm4b:s4+s12], $0x80, s8, s12, $0xb8;
	[tilespmem:$0x1D000] =	vst v63  }
0x55: {  	_ =	swait.ge [sflag:s15], $0x4000  }
0x56: {  	[sflag:s15] =	ssyncset.done $0x0  }
0x57: {  	s9 =	rddreg [dreg:$0xc];
	[sflag:s15] =	ssyncadd.s32 $0xFFFFC000  }
0x58: {  	[spmem:s2] =	stream.indirect.scatter.add.f32 [tilespmem:s13], [sflag:$0x3], $0x80, s9, s12, $0xb8;
	[tilespmem:$0x1D000] =	vst v63  }
0x59: {  	_ =	swait.ge [sflag:s16], $0x4000  }
0x5a: {  	[sflag:s16] =	ssyncset.done $0x0  }
0x5b: {  	s7 =	rddreg [dreg:$0xd];
	[sflag:s16] =	ssyncadd.s32 $0xFFFFC000  }
0x5c: {  	[tilespmem:s13], [sflag:$0x1] =	stream.indirect.gather [hbm4b:s4+s12], $0x80, s7, s12, $0xb8;
	[tilespmem:$0x1D000] =	vst v63  }
0x5d: {  	_ =	swait.ge [sflag:s17], $0x4000  }
0x5e: {  	[sflag:s17] =	ssyncset.done $0x0  }
0x5f: {  	s8 =	rddreg [dreg:$0xe];
	[sflag:s17] =	ssyncadd.s32 $0xFFFFC000  }
0x60: {  	[spmem:s2] =	stream.indirect.scatter.add.f32 [tilespmem:s14], [sflag:$0x4], $0x80, s8, s12, $0xb8;
	[tilespmem:$0x1D000] =	vst v63  }
0x61: {  	_ =	swait.ge [sflag:s18], $0x4000  }
0x62: {  	[sflag:s18] =	ssyncset.done $0x0  }
0x63: {  	s9 =	rddreg [dreg:$0xf];
	[sflag:s18] =	ssyncadd.s32 $0xFFFFC000  }
0x64: {  	[tilespmem:s14], [sflag:$0x2] =	stream.indirect.gather [hbm4b:s4+s12], $0x80, s9, s12, $0xb8;
	[tilespmem:$0x1D000] =	vst v63  }
0x65: {  	_ =	swait.ge [sflag:s15], $0x4000  }
0x66: {  	[sflag:s15] =	ssyncset.done $0x0  }
0x67: {  	s7 =	rddreg [dreg:$0x10];
	[sflag:s15] =	ssyncadd.s32 $0xFFFFC000  }
0x68: {  	[spmem:s2] =	stream.indirect.scatter.add.f32 [tilespmem:s13], [sflag:$0x3], $0x80, s7, s12, $0xb8;
	[tilespmem:$0x1D000] =	vst v63  }
0x69: {  	_ =	swait.ge [sflag:s16], $0x4000  }
0x6a: {  	[sflag:s16] =	ssyncset.done $0x0  }
0x6b: {  	s8 =	rddreg [dreg:$0x11];
	[sflag:s16] =	ssyncadd.s32 $0xFFFFC000  }
0x6c: {  	[tilespmem:s13], [sflag:$0x1] =	stream.indirect.gather [hbm4b:s4+s12], $0x80, s8, s12, $0xb8;
	[tilespmem:$0x1D000] =	vst v63  }
0x6d: {  	_ =	swait.ge [sflag:s17], $0x4000  }
0x6e: {  	[sflag:s17] =	ssyncset.done $0x0  }
0x6f: {  	s9 =	rddreg [dreg:$0x12];
	[sflag:s17] =	ssyncadd.s32 $0xFFFFC000  }
0x70: {  	[spmem:s2] =	stream.indirect.scatter.add.f32 [tilespmem:s14], [sflag:$0x4], $0x80, s9, s12, $0xb8;
	[tilespmem:$0x1D000] =	vst v63  }
0x71: {  	_ =	swait.ge [sflag:s18], $0x4000  }
0x72: {  	[sflag:s18] =	ssyncset.done $0x0  }
0x73: {  	[sflag:s18] =	ssyncadd.s32 $0xFFFFC000  }
0x74: {  	[tilespmem:s14], [sflag:$0x2] =	stream.indirect.gather [hbm4b:s4+s12], $0x80, s19, s12, $0xb8;
	[tilespmem:$0x1D000] =	vst v63  }
0x75: {  	_ =	swait.ge [sflag:s15], $0x4000  }
0x76: {  	[sflag:s15] =	ssyncset.done $0x0  }
0x77: {  	[sflag:s15] =	ssyncadd.s32 $0xFFFFC000  }
0x78: {  	[spmem:s2] =	stream.indirect.scatter.add.f32 [tilespmem:s13], [sflag:$0x3], $0x80, s20, s12, $0xb8;
	[tilespmem:$0x1D000] =	vst v63  }
0x79: {  	_ =	swait.ge [sflag:s16], $0x4000  }
0x7a: {  	[sflag:s16] =	ssyncset.done $0x0  }
0x7b: {  	[sflag:s16] =	ssyncadd.s32 $0xFFFFC000  }
0x7c: {  	[tilespmem:s13], [sflag:$0x1] =	stream.indirect.gather [hbm4b:s4+s12], $0x80, s21, s12, $0xb8;
	[tilespmem:$0x1D000] =	vst v63  }
0x7d: {  	_ =	swait.ge [sflag:s17], $0x4000  }
0x7e: {  	[sflag:s17] =	ssyncset.done $0x0  }
0x7f: {  	[sflag:s17] =	ssyncadd.s32 $0xFFFFC000  }
0x80: {  	[spmem:s2] =	stream.indirect.scatter.add.f32 [tilespmem:s14], [sflag:$0x4], $0x80, s22, s12, $0xb8;
	[tilespmem:$0x1D000] =	vst v63  }
0x81: {  	_ =	swait.ge [sflag:s18], $0x4000  }
0x82: {  	[sflag:s18] =	ssyncset.done $0x0  }
0x83: {  	[sflag:s18] =	ssyncadd.s32 $0xFFFFC000  }
0x84: {  	[tilespmem:s14], [sflag:$0x2] =	stream.indirect.gather [hbm4b:s4+s12], $0x80, s23, s12, $0xb8;
	[tilespmem:$0x1D000] =	vst v63  }
0x85: {  	_ =	swait.ge [sflag:s15], $0x4000  }
0x86: {  	[sflag:s15] =	ssyncset.done $0x0  }
0x87: {  	[sflag:s15] =	ssyncadd.s32 $0xFFFFC000  }
0x88: {  	[spmem:s2] =	stream.indirect.scatter.add.f32 [tilespmem:s13], [sflag:$0x3], $0x80, s24, s12, $0xb8;
	[tilespmem:$0x1D000] =	vst v63  }
0x89: {  	_ =	swait.ge [sflag:s16], $0x4000  }
0x8a: {  	[sflag:s16] =	ssyncset.done $0x0  }
0x8b: {  	[sflag:s16] =	ssyncadd.s32 $0xFFFFC000  }
0x8c: {  	[tilespmem:s13], [sflag:$0x1] =	stream.indirect.gather [hbm4b:s4+s12], $0x80, s25, s12, $0xb8;
	[tilespmem:$0x1D000] =	vst v63  }
0x8d: {  	_ =	swait.ge [sflag:s17], $0x4000  }
0x8e: {  	[sflag:s17] =	ssyncset.done $0x0  }
0x8f: {  	[sflag:s17] =	ssyncadd.s32 $0xFFFFC000  }
0x90: {  	[spmem:s2] =	stream.indirect.scatter.add.f32 [tilespmem:s14], [sflag:$0x4], $0x80, s26, s12, $0xb8;
	[tilespmem:$0x1D000] =	vst v63  }
0x91: {  	_ =	swait.ge [sflag:s18], $0x4000  }
0x92: {  	[sflag:s18] =	ssyncset.done $0x0  }
0x93: {  	[sflag:s18] =	ssyncadd.s32 $0xFFFFC000  }
0x94: {  	[tilespmem:s14], [sflag:$0x2] =	stream.indirect.gather [hbm4b:s4+s12], $0x80, s28, s12, $0xb8;
	[tilespmem:$0x1D000] =	vst v63  }
0x95: {  	_ =	swait.ge [sflag:s15], $0x4000  }
0x96: {  	[sflag:s15] =	ssyncset.done $0x0  }
0x97: {  	[sflag:s15] =	ssyncadd.s32 $0xFFFFC000  }
0x98: {  	[spmem:s2] =	stream.indirect.scatter.add.f32 [tilespmem:s13], [sflag:$0x3], $0x80, s29, s12, $0xb8;
	[tilespmem:$0x1D000] =	vst v63  }
0x99: {  	_ =	swait.ge [sflag:s16], $0x4000  }
0x9a: {  	[sflag:s16] =	ssyncset.done $0x0  }
0x9b: {  	[sflag:s16] =	ssyncadd.s32 $0xFFFFC000  }
0x9c: {  	[tilespmem:s13], [sflag:$0x1] =	stream.indirect.gather [hbm4b:s4+s12], $0x80, s30, s12, $0xb8;
	[tilespmem:$0x1D000] =	vst v63  }
0x9d: {  	_ =	swait.ge [sflag:s17], $0x4000  }
0x9e: {  	[sflag:s17] =	ssyncset.done $0x0  }
0x9f: {  	[sflag:s17] =	ssyncadd.s32 $0xFFFFC000  }
0xa0: {  	[spmem:s2] =	stream.indirect.scatter.add.f32 [tilespmem:s14], [sflag:$0x4], $0x80, s31, s12, $0xb8;
	[tilespmem:$0x1D000] =	vst v63  }
0xa1: {  	_ =	swait.ge [sflag:s18], $0x4000  }
0xa2: {  	[sflag:s18] =	ssyncset.done $0x0  }
0xa3: {  	[sflag:s18] =	ssyncadd.s32 $0xFFFFC000  }
0xa4: {  	[tilespmem:s14], [sflag:$0x2] =	stream.indirect.gather [hbm4b:s4+s12], $0x80, s1, s12, $0xb8;
	[tilespmem:$0x1D000] =	vst v63  }
0xa5: {  	_ =	swait.ge [sflag:s15], $0x4000  }
0xa6: {  	[sflag:s15] =	ssyncset.done $0x0  }
0xa7: {  	[sflag:s15] =	ssyncadd.s32 $0xFFFFC000  }
0xa8: {  	[spmem:s2] =	stream.indirect.scatter.add.f32 [tilespmem:s13], [sflag:$0x3], $0x80, s0, s12, $0xb8;
	[tilespmem:$0x1D000] =	vst v63  }
0xa9: {  	_ =	swait.ge [sflag:s16], $0x4000  }
0xaa: {  	[sflag:s16] =	ssyncset.done $0x0  }
0xab: {  	[sflag:s16] =	ssyncadd.s32 $0xFFFFC000  }
0xac: {  	_ =	swait.ge [sflag:s17], $0x4000  }
0xad: {  	[sflag:s17] =	ssyncset.done $0x0  }
0xae: {  	[sflag:s17] =	ssyncadd.s32 $0xFFFFC000  }
0xaf: {  	[spmem:s2] =	stream.indirect.scatter.add.f32 [tilespmem:s14], [sflag:$0x4], $0x80, s5, s12, $0xb8;
	[tilespmem:$0x1D000] =	vst v63  }
0xb0: {  	s6 =	simm.s32 $0x200;
	_ =	swait.ge [sflag:s18], $0x4000  }
0xb1: {  	s8 =	simm.s32 $0x100;
	s9 =	rddreg [dreg:$0x4];
	[sflag:s18] =	ssyncset.done $0x0  }
.LBB2_2:
0xb2: {  	[sflag:s18] =	ssyncadd.s32 $0xFFFFC000;
	s9 =	sadd.s32 s8, s9  }
0xb3: {  	[tilespmem:s3], [sflag:$0x5] =	stream.linear.gather [hbm4b:s9+s3], $0x800, $0x38;
	[tilespmem:$0x1D000] =	vst v63  }
0xb4: {  	_ =	swait.ge [sflag:s10], $0x800  }
0xb5: {  	s9 =	rddreg [dreg:$0x3];
	[sflag:s10] =	ssyncset.done $0x0  }
0xb6: {  	[sflag:s10] =	ssyncadd.s32 $0xFFFFF800;
	s9 =	sadd.s32 s8, s9  }
0xb7: {  	[tilespmem:s11], [sflag:$0x5] =	stream.linear.gather [hbm4b:s9+s3], $0x800, $0x38;
	[tilespmem:$0x1D000] =	vst v63  }
0xb8: {  	_ =	swait.ge [sflag:s10], $0x800  }
0xb9: {  	[sflag:s10] =	ssyncset.done $0x0  }
0xba: {  	[sflag:s10] =	ssyncadd.s32 $0xFFFFF800  }
0xbb: {  	[tilespmem:s13], [sflag:$0x1] =	stream.indirect.gather [hbm4b:s4+s12], $0x80, s3, s12, $0xb8;
	[tilespmem:$0x1D000] =	vst v63  }
0xbc: {  	_ = 	snop  }
0xbd: {  	[tilespmem:s14], [sflag:$0x2] =	stream.indirect.gather [hbm4b:s4+s12], $0x80, s12, s12, $0xb8;
	[tilespmem:$0x1D000] =	vst v63  }
0xbe: {  	_ =	swait.ge [sflag:s15], $0x4000  }
0xbf: {  	[sflag:s15] =	ssyncset.done $0x0  }
0xc0: {  	[sflag:s15] =	ssyncadd.s32 $0xFFFFC000  }
0xc1: {  	[spmem:s2] =	stream.indirect.scatter.add.f32 [tilespmem:s13], [sflag:$0x3], $0x80, s11, s12, $0xb8;
	[tilespmem:$0x1D000] =	vst v63  }
0xc2: {  	_ =	swait.ge [sflag:s16], $0x4000  }
0xc3: {  	[sflag:s16] =	ssyncset.done $0x0  }
0xc4: {  	s9 =	rddreg [dreg:$0x5];
	[sflag:s16] =	ssyncadd.s32 $0xFFFFC000  }
0xc5: {  	[tilespmem:s13], [sflag:$0x1] =	stream.indirect.gather [hbm4b:s4+s12], $0x80, s9, s12, $0xb8;
	[tilespmem:$0x1D000] =	vst v63  }
0xc6: {  	_ =	swait.ge [sflag:s17], $0x4000  }
0xc7: {  	[sflag:s17] =	ssyncset.done $0x0  }
0xc8: {  	s9 =	rddreg [dreg:$0x6];
	[sflag:s17] =	ssyncadd.s32 $0xFFFFC000  }
0xc9: {  	[spmem:s2] =	stream.indirect.scatter.add.f32 [tilespmem:s14], [sflag:$0x4], $0x80, s9, s12, $0xb8;
	[tilespmem:$0x1D000] =	vst v63  }
0xca: {  	_ =	swait.ge [sflag:s18], $0x4000  }
0xcb: {  	[sflag:s18] =	ssyncset.done $0x0  }
0xcc: {  	s9 =	rddreg [dreg:$0x7];
	[sflag:s18] =	ssyncadd.s32 $0xFFFFC000  }
0xcd: {  	[tilespmem:s14], [sflag:$0x2] =	stream.indirect.gather [hbm4b:s4+s12], $0x80, s9, s12, $0xb8;
	[tilespmem:$0x1D000] =	vst v63  }
0xce: {  	_ =	swait.ge [sflag:s15], $0x4000  }
0xcf: {  	[sflag:s15] =	ssyncset.done $0x0  }
0xd0: {  	s9 =	rddreg [dreg:$0x8];
	[sflag:s15] =	ssyncadd.s32 $0xFFFFC000  }
0xd1: {  	[spmem:s2] =	stream.indirect.scatter.add.f32 [tilespmem:s13], [sflag:$0x3], $0x80, s9, s12, $0xb8;
	[tilespmem:$0x1D000] =	vst v63  }
0xd2: {  	_ =	swait.ge [sflag:s16], $0x4000  }
0xd3: {  	[sflag:s16] =	ssyncset.done $0x0  }
0xd4: {  	s9 =	rddreg [dreg:$0x9];
	[sflag:s16] =	ssyncadd.s32 $0xFFFFC000  }
0xd5: {  	[tilespmem:s13], [sflag:$0x1] =	stream.indirect.gather [hbm4b:s4+s12], $0x80, s9, s12, $0xb8;
	[tilespmem:$0x1D000] =	vst v63  }
0xd6: {  	_ =	swait.ge [sflag:s17], $0x4000  }
0xd7: {  	[sflag:s17] =	ssyncset.done $0x0  }
0xd8: {  	s9 =	rddreg [dreg:$0xa];
	[sflag:s17] =	ssyncadd.s32 $0xFFFFC000  }
0xd9: {  	[spmem:s2] =	stream.indirect.scatter.add.f32 [tilespmem:s14], [sflag:$0x4], $0x80, s9, s12, $0xb8;
	[tilespmem:$0x1D000] =	vst v63  }
0xda: {  	_ =	swait.ge [sflag:s18], $0x4000  }
0xdb: {  	[sflag:s18] =	ssyncset.done $0x0  }
0xdc: {  	s9 =	rddreg [dreg:$0xb];
	[sflag:s18] =	ssyncadd.s32 $0xFFFFC000  }
0xdd: {  	[tilespmem:s14], [sflag:$0x2] =	stream.indirect.gather [hbm4b:s4+s12], $0x80, s9, s12, $0xb8;
	[tilespmem:$0x1D000] =	vst v63  }
0xde: {  	_ =	swait.ge [sflag:s15], $0x4000  }
0xdf: {  	[sflag:s15] =	ssyncset.done $0x0  }
0xe0: {  	s9 =	rddreg [dreg:$0xc];
	[sflag:s15] =	ssyncadd.s32 $0xFFFFC000  }
0xe1: {  	[spmem:s2] =	stream.indirect.scatter.add.f32 [tilespmem:s13], [sflag:$0x3], $0x80, s9, s12, $0xb8;
	[tilespmem:$0x1D000] =	vst v63  }
0xe2: {  	_ =	swait.ge [sflag:s16], $0x4000  }
0xe3: {  	[sflag:s16] =	ssyncset.done $0x0  }
0xe4: {  	s9 =	rddreg [dreg:$0xd];
	[sflag:s16] =	ssyncadd.s32 $0xFFFFC000  }
0xe5: {  	[tilespmem:s13], [sflag:$0x1] =	stream.indirect.gather [hbm4b:s4+s12], $0x80, s9, s12, $0xb8;
	[tilespmem:$0x1D000] =	vst v63  }
0xe6: {  	_ =	swait.ge [sflag:s17], $0x4000  }
0xe7: {  	[sflag:s17] =	ssyncset.done $0x0  }
0xe8: {  	s9 =	rddreg [dreg:$0xe];
	[sflag:s17] =	ssyncadd.s32 $0xFFFFC000  }
0xe9: {  	[spmem:s2] =	stream.indirect.scatter.add.f32 [tilespmem:s14], [sflag:$0x4], $0x80, s9, s12, $0xb8;
	[tilespmem:$0x1D000] =	vst v63  }
0xea: {  	_ =	swait.ge [sflag:s18], $0x4000  }
0xeb: {  	[sflag:s18] =	ssyncset.done $0x0  }
0xec: {  	s9 =	rddreg [dreg:$0xf];
	[sflag:s18] =	ssyncadd.s32 $0xFFFFC000  }
0xed: {  	[tilespmem:s14], [sflag:$0x2] =	stream.indirect.gather [hbm4b:s4+s12], $0x80, s9, s12, $0xb8;
	[tilespmem:$0x1D000] =	vst v63  }
0xee: {  	_ =	swait.ge [sflag:s15], $0x4000  }
0xef: {  	[sflag:s15] =	ssyncset.done $0x0  }
0xf0: {  	s9 =	rddreg [dreg:$0x10];
	[sflag:s15] =	ssyncadd.s32 $0xFFFFC000  }
0xf1: {  	[spmem:s2] =	stream.indirect.scatter.add.f32 [tilespmem:s13], [sflag:$0x3], $0x80, s9, s12, $0xb8;
	[tilespmem:$0x1D000] =	vst v63  }
0xf2: {  	_ =	swait.ge [sflag:s16], $0x4000  }
0xf3: {  	[sflag:s16] =	ssyncset.done $0x0  }
0xf4: {  	s9 =	rddreg [dreg:$0x11];
	[sflag:s16] =	ssyncadd.s32 $0xFFFFC000  }
0xf5: {  	[tilespmem:s13], [sflag:$0x1] =	stream.indirect.gather [hbm4b:s4+s12], $0x80, s9, s12, $0xb8;
	[tilespmem:$0x1D000] =	vst v63  }
0xf6: {  	_ =	swait.ge [sflag:s17], $0x4000  }
0xf7: {  	[sflag:s17] =	ssyncset.done $0x0  }
0xf8: {  	s9 =	rddreg [dreg:$0x12];
	[sflag:s17] =	ssyncadd.s32 $0xFFFFC000  }
0xf9: {  	[spmem:s2] =	stream.indirect.scatter.add.f32 [tilespmem:s14], [sflag:$0x4], $0x80, s9, s12, $0xb8;
	[tilespmem:$0x1D000] =	vst v63  }
0xfa: {  	_ =	swait.ge [sflag:s18], $0x4000  }
0xfb: {  	[sflag:s18] =	ssyncset.done $0x0  }
0xfc: {  	[sflag:s18] =	ssyncadd.s32 $0xFFFFC000  }
0xfd: {  	[tilespmem:s14], [sflag:$0x2] =	stream.indirect.gather [hbm4b:s4+s12], $0x80, s19, s12, $0xb8;
	[tilespmem:$0x1D000] =	vst v63  }
0xfe: {  	_ =	swait.ge [sflag:s15], $0x4000  }
0xff: {  	[sflag:s15] =	ssyncset.done $0x0  }
0x100: {  	[sflag:s15] =	ssyncadd.s32 $0xFFFFC000  }
0x101: {  	[spmem:s2] =	stream.indirect.scatter.add.f32 [tilespmem:s13], [sflag:$0x3], $0x80, s20, s12, $0xb8;
	[tilespmem:$0x1D000] =	vst v63  }
0x102: {  	_ =	swait.ge [sflag:s16], $0x4000  }
0x103: {  	[sflag:s16] =	ssyncset.done $0x0  }
0x104: {  	[sflag:s16] =	ssyncadd.s32 $0xFFFFC000  }
0x105: {  	[tilespmem:s13], [sflag:$0x1] =	stream.indirect.gather [hbm4b:s4+s12], $0x80, s21, s12, $0xb8;
	[tilespmem:$0x1D000] =	vst v63  }
0x106: {  	_ =	swait.ge [sflag:s17], $0x4000  }
0x107: {  	[sflag:s17] =	ssyncset.done $0x0  }
0x108: {  	[sflag:s17] =	ssyncadd.s32 $0xFFFFC000  }
0x109: {  	[spmem:s2] =	stream.indirect.scatter.add.f32 [tilespmem:s14], [sflag:$0x4], $0x80, s22, s12, $0xb8;
	[tilespmem:$0x1D000] =	vst v63  }
0x10a: {  	_ =	swait.ge [sflag:s18], $0x4000  }
0x10b: {  	[sflag:s18] =	ssyncset.done $0x0  }
0x10c: {  	[sflag:s18] =	ssyncadd.s32 $0xFFFFC000  }
0x10d: {  	[tilespmem:s14], [sflag:$0x2] =	stream.indirect.gather [hbm4b:s4+s12], $0x80, s23, s12, $0xb8;
	[tilespmem:$0x1D000] =	vst v63  }
0x10e: {  	_ =	swait.ge [sflag:s15], $0x4000  }
0x10f: {  	[sflag:s15] =	ssyncset.done $0x0  }
0x110: {  	[sflag:s15] =	ssyncadd.s32 $0xFFFFC000  }
0x111: {  	[spmem:s2] =	stream.indirect.scatter.add.f32 [tilespmem:s13], [sflag:$0x3], $0x80, s24, s12, $0xb8;
	[tilespmem:$0x1D000] =	vst v63  }
0x112: {  	_ =	swait.ge [sflag:s16], $0x4000  }
0x113: {  	[sflag:s16] =	ssyncset.done $0x0  }
0x114: {  	[sflag:s16] =	ssyncadd.s32 $0xFFFFC000  }
0x115: {  	[tilespmem:s13], [sflag:$0x1] =	stream.indirect.gather [hbm4b:s4+s12], $0x80, s25, s12, $0xb8;
	[tilespmem:$0x1D000] =	vst v63  }
0x116: {  	_ =	swait.ge [sflag:s17], $0x4000  }
0x117: {  	[sflag:s17] =	ssyncset.done $0x0  }
0x118: {  	[sflag:s17] =	ssyncadd.s32 $0xFFFFC000  }
0x119: {  	[spmem:s2] =	stream.indirect.scatter.add.f32 [tilespmem:s14], [sflag:$0x4], $0x80, s26, s12, $0xb8;
	[tilespmem:$0x1D000] =	vst v63  }
0x11a: {  	_ =	swait.ge [sflag:s18], $0x4000  }
0x11b: {  	[sflag:s18] =	ssyncset.done $0x0  }
0x11c: {  	[sflag:s18] =	ssyncadd.s32 $0xFFFFC000  }
0x11d: {  	[tilespmem:s14], [sflag:$0x2] =	stream.indirect.gather [hbm4b:s4+s12], $0x80, s28, s12, $0xb8;
	[tilespmem:$0x1D000] =	vst v63  }
0x11e: {  	_ =	swait.ge [sflag:s15], $0x4000  }
0x11f: {  	[sflag:s15] =	ssyncset.done $0x0  }
0x120: {  	[sflag:s15] =	ssyncadd.s32 $0xFFFFC000  }
0x121: {  	[spmem:s2] =	stream.indirect.scatter.add.f32 [tilespmem:s13], [sflag:$0x3], $0x80, s29, s12, $0xb8;
	[tilespmem:$0x1D000] =	vst v63  }
0x122: {  	_ =	swait.ge [sflag:s16], $0x4000  }
0x123: {  	[sflag:s16] =	ssyncset.done $0x0  }
0x124: {  	[sflag:s16] =	ssyncadd.s32 $0xFFFFC000  }
0x125: {  	[tilespmem:s13], [sflag:$0x1] =	stream.indirect.gather [hbm4b:s4+s12], $0x80, s30, s12, $0xb8;
	[tilespmem:$0x1D000] =	vst v63  }
0x126: {  	_ =	swait.ge [sflag:s17], $0x4000  }
0x127: {  	[sflag:s17] =	ssyncset.done $0x0  }
0x128: {  	[sflag:s17] =	ssyncadd.s32 $0xFFFFC000  }
0x129: {  	[spmem:s2] =	stream.indirect.scatter.add.f32 [tilespmem:s14], [sflag:$0x4], $0x80, s31, s12, $0xb8;
	[tilespmem:$0x1D000] =	vst v63  }
0x12a: {  	_ =	swait.ge [sflag:s18], $0x4000  }
0x12b: {  	[sflag:s18] =	ssyncset.done $0x0  }
0x12c: {  	[sflag:s18] =	ssyncadd.s32 $0xFFFFC000  }
0x12d: {  	[tilespmem:s14], [sflag:$0x2] =	stream.indirect.gather [hbm4b:s4+s12], $0x80, s1, s12, $0xb8;
	[tilespmem:$0x1D000] =	vst v63  }
0x12e: {  	_ =	swait.ge [sflag:s15], $0x4000  }
0x12f: {  	[sflag:s15] =	ssyncset.done $0x0  }
0x130: {  	[sflag:s15] =	ssyncadd.s32 $0xFFFFC000  }
0x131: {  	[spmem:s2] =	stream.indirect.scatter.add.f32 [tilespmem:s13], [sflag:$0x3], $0x80, s0, s12, $0xb8;
	[tilespmem:$0x1D000] =	vst v63  }
0x132: {  	_ =	swait.ge [sflag:s16], $0x4000  }
0x133: {  	[sflag:s16] =	ssyncset.done $0x0  }
0x134: {  	[sflag:s16] =	ssyncadd.s32 $0xFFFFC000  }
0x135: {  	p0 =	sne.s32 s6, $0x400;
	_ =	swait.ge [sflag:s17], $0x4000  }
.Ltmp0:
0x136: {  	[sflag:s17] =	ssyncset.done $0x0;
	(pc) =	sbr.rel @p0 .LBB2_2-.Ltmp0, $4  }
0x137: {  	[sflag:s17] =	ssyncadd.s32 $0xFFFFC000  }
0x138: {  	[spmem:s2] =	stream.indirect.scatter.add.f32 [tilespmem:s14], [sflag:$0x4], $0x80, s5, s12, $0xb8;
	[tilespmem:$0x1D000] =	vst v63  }
0x139: {  	s7 =	smov.u32 s6;
	s6 =	sadd.s32 $0x100, s6;
	_ =	swait.ge [sflag:s18], $0x4000  }
0x13a: {  	s8 =	smov.u32 s7;
	s9 =	rddreg [dreg:$0x4];
	[sflag:s18] =	ssyncset.done $0x0  }
0x13b: {  	[sflag:s18] =	ssyncadd.s32 $0xFFFFC000;
	s6 =	sadd.s32 s8, s9  }
0x13c: {  	[tilespmem:s3], [sflag:$0x5] =	stream.linear.gather [hbm4b:s6+s3], $0x800, $0x38;
	[tilespmem:$0x1D000] =	vst v63  }
0x13d: {  	_ =	swait.ge [sflag:s10], $0x800  }
0x13e: {  	s9 =	rddreg [dreg:$0x3];
	[sflag:s10] =	ssyncset.done $0x0  }
0x13f: {  	s6 =	sadd.s32 s8, s9;
	[sflag:s10] =	ssyncadd.s32 $0xFFFFF800  }
0x140: {  	[tilespmem:s11], [sflag:$0x5] =	stream.linear.gather [hbm4b:s6+s3], $0x800, $0x38;
	[tilespmem:$0x1D000] =	vst v63  }
0x141: {  	_ =	swait.ge [sflag:s10], $0x800  }
0x142: {  	[sflag:s10] =	ssyncset.done $0x0  }
0x143: {  	[sflag:s10] =	ssyncadd.s32 $0xFFFFF800  }
0x144: {  	[tilespmem:s13], [sflag:$0x1] =	stream.indirect.gather [hbm4b:s4+s12], $0x80, s3, s12, $0xb8;
	[tilespmem:$0x1D000] =	vst v63  }
0x145: {  	_ = 	snop  }
0x146: {  	[tilespmem:s14], [sflag:$0x2] =	stream.indirect.gather [hbm4b:s4+s12], $0x80, s12, s12, $0xb8;
	[tilespmem:$0x1D000] =	vst v63  }
0x147: {  	_ =	swait.ge [sflag:s15], $0x4000  }
0x148: {  	[sflag:s15] =	ssyncset.done $0x0  }
0x149: {  	[sflag:s15] =	ssyncadd.s32 $0xFFFFC000  }
0x14a: {  	[spmem:s2] =	stream.indirect.scatter.add.f32 [tilespmem:s13], [sflag:$0x3], $0x80, s11, s12, $0xb8;
	[tilespmem:$0x1D000] =	vst v63  }
0x14b: {  	_ =	swait.ge [sflag:s16], $0x4000  }
0x14c: {  	[sflag:s16] =	ssyncset.done $0x0  }
0x14d: {  	s7 =	rddreg [dreg:$0x5];
	[sflag:s16] =	ssyncadd.s32 $0xFFFFC000  }
0x14e: {  	[tilespmem:s13], [sflag:$0x1] =	stream.indirect.gather [hbm4b:s4+s12], $0x80, s7, s12, $0xb8;
	[tilespmem:$0x1D000] =	vst v63  }
0x14f: {  	_ =	swait.ge [sflag:s17], $0x4000  }
0x150: {  	[sflag:s17] =	ssyncset.done $0x0  }
0x151: {  	s8 =	rddreg [dreg:$0x6];
	[sflag:s17] =	ssyncadd.s32 $0xFFFFC000  }
0x152: {  	[spmem:s2] =	stream.indirect.scatter.add.f32 [tilespmem:s14], [sflag:$0x4], $0x80, s8, s12, $0xb8;
	[tilespmem:$0x1D000] =	vst v63  }
0x153: {  	_ =	swait.ge [sflag:s18], $0x4000  }
0x154: {  	[sflag:s18] =	ssyncset.done $0x0  }
0x155: {  	s9 =	rddreg [dreg:$0x7];
	[sflag:s18] =	ssyncadd.s32 $0xFFFFC000  }
0x156: {  	[tilespmem:s14], [sflag:$0x2] =	stream.indirect.gather [hbm4b:s4+s12], $0x80, s9, s12, $0xb8;
	[tilespmem:$0x1D000] =	vst v63  }
0x157: {  	_ =	swait.ge [sflag:s15], $0x4000  }
0x158: {  	[sflag:s15] =	ssyncset.done $0x0  }
0x159: {  	s7 =	rddreg [dreg:$0x8];
	[sflag:s15] =	ssyncadd.s32 $0xFFFFC000  }
0x15a: {  	[spmem:s2] =	stream.indirect.scatter.add.f32 [tilespmem:s13], [sflag:$0x3], $0x80, s7, s12, $0xb8;
	[tilespmem:$0x1D000] =	vst v63  }
0x15b: {  	_ =	swait.ge [sflag:s16], $0x4000  }
0x15c: {  	[sflag:s16] =	ssyncset.done $0x0  }
0x15d: {  	s8 =	rddreg [dreg:$0x9];
	[sflag:s16] =	ssyncadd.s32 $0xFFFFC000  }
0x15e: {  	[tilespmem:s13], [sflag:$0x1] =	stream.indirect.gather [hbm4b:s4+s12], $0x80, s8, s12, $0xb8;
	[tilespmem:$0x1D000] =	vst v63  }
0x15f: {  	_ =	swait.ge [sflag:s17], $0x4000  }
0x160: {  	[sflag:s17] =	ssyncset.done $0x0  }
0x161: {  	s9 =	rddreg [dreg:$0xa];
	[sflag:s17] =	ssyncadd.s32 $0xFFFFC000  }
0x162: {  	[spmem:s2] =	stream.indirect.scatter.add.f32 [tilespmem:s14], [sflag:$0x4], $0x80, s9, s12, $0xb8;
	[tilespmem:$0x1D000] =	vst v63  }
0x163: {  	_ =	swait.ge [sflag:s18], $0x4000  }
0x164: {  	[sflag:s18] =	ssyncset.done $0x0  }
0x165: {  	s7 =	rddreg [dreg:$0xb];
	[sflag:s18] =	ssyncadd.s32 $0xFFFFC000  }
0x166: {  	[tilespmem:s14], [sflag:$0x2] =	stream.indirect.gather [hbm4b:s4+s12], $0x80, s7, s12, $0xb8;
	[tilespmem:$0x1D000] =	vst v63  }
0x167: {  	_ =	swait.ge [sflag:s15], $0x4000  }
0x168: {  	[sflag:s15] =	ssyncset.done $0x0  }
0x169: {  	s8 =	rddreg [dreg:$0xc];
	[sflag:s15] =	ssyncadd.s32 $0xFFFFC000  }
0x16a: {  	[spmem:s2] =	stream.indirect.scatter.add.f32 [tilespmem:s13], [sflag:$0x3], $0x80, s8, s12, $0xb8;
	[tilespmem:$0x1D000] =	vst v63  }
0x16b: {  	_ =	swait.ge [sflag:s16], $0x4000  }
0x16c: {  	[sflag:s16] =	ssyncset.done $0x0  }
0x16d: {  	s9 =	rddreg [dreg:$0xd];
	[sflag:s16] =	ssyncadd.s32 $0xFFFFC000  }
0x16e: {  	[tilespmem:s13], [sflag:$0x1] =	stream.indirect.gather [hbm4b:s4+s12], $0x80, s9, s12, $0xb8;
	[tilespmem:$0x1D000] =	vst v63  }
0x16f: {  	_ =	swait.ge [sflag:s17], $0x4000  }
0x170: {  	[sflag:s17] =	ssyncset.done $0x0  }
0x171: {  	s7 =	rddreg [dreg:$0xe];
	[sflag:s17] =	ssyncadd.s32 $0xFFFFC000  }
0x172: {  	[spmem:s2] =	stream.indirect.scatter.add.f32 [tilespmem:s14], [sflag:$0x4], $0x80, s7, s12, $0xb8;
	[tilespmem:$0x1D000] =	vst v63  }
0x173: {  	_ =	swait.ge [sflag:s18], $0x4000  }
0x174: {  	[sflag:s18] =	ssyncset.done $0x0  }
0x175: {  	s8 =	rddreg [dreg:$0xf];
	[sflag:s18] =	ssyncadd.s32 $0xFFFFC000  }
0x176: {  	[tilespmem:s14], [sflag:$0x2] =	stream.indirect.gather [hbm4b:s4+s12], $0x80, s8, s12, $0xb8;
	[tilespmem:$0x1D000] =	vst v63  }
0x177: {  	_ =	swait.ge [sflag:s15], $0x4000  }
0x178: {  	[sflag:s15] =	ssyncset.done $0x0  }
0x179: {  	s9 =	rddreg [dreg:$0x10];
	[sflag:s15] =	ssyncadd.s32 $0xFFFFC000  }
0x17a: {  	[spmem:s2] =	stream.indirect.scatter.add.f32 [tilespmem:s13], [sflag:$0x3], $0x80, s9, s12, $0xb8;
	[tilespmem:$0x1D000] =	vst v63  }
0x17b: {  	_ =	swait.ge [sflag:s16], $0x4000  }
0x17c: {  	[sflag:s16] =	ssyncset.done $0x0  }
0x17d: {  	s7 =	rddreg [dreg:$0x11];
	[sflag:s16] =	ssyncadd.s32 $0xFFFFC000  }
0x17e: {  	[tilespmem:s13], [sflag:$0x1] =	stream.indirect.gather [hbm4b:s4+s12], $0x80, s7, s12, $0xb8;
	[tilespmem:$0x1D000] =	vst v63  }
0x17f: {  	_ =	swait.ge [sflag:s17], $0x4000  }
0x180: {  	[sflag:s17] =	ssyncset.done $0x0  }
0x181: {  	s8 =	rddreg [dreg:$0x12];
	[sflag:s17] =	ssyncadd.s32 $0xFFFFC000  }
0x182: {  	[spmem:s2] =	stream.indirect.scatter.add.f32 [tilespmem:s14], [sflag:$0x4], $0x80, s8, s12, $0xb8;
	[tilespmem:$0x1D000] =	vst v63  }
0x183: {  	_ =	swait.ge [sflag:s18], $0x4000  }
0x184: {  	[sflag:s18] =	ssyncset.done $0x0  }
0x185: {  	[sflag:s18] =	ssyncadd.s32 $0xFFFFC000  }
0x186: {  	[tilespmem:s14], [sflag:$0x2] =	stream.indirect.gather [hbm4b:s4+s12], $0x80, s19, s12, $0xb8;
	[tilespmem:$0x1D000] =	vst v63  }
0x187: {  	_ =	swait.ge [sflag:s15], $0x4000  }
0x188: {  	[sflag:s15] =	ssyncset.done $0x0  }
0x189: {  	[sflag:s15] =	ssyncadd.s32 $0xFFFFC000  }
0x18a: {  	[spmem:s2] =	stream.indirect.scatter.add.f32 [tilespmem:s13], [sflag:$0x3], $0x80, s20, s12, $0xb8;
	[tilespmem:$0x1D000] =	vst v63  }
0x18b: {  	_ =	swait.ge [sflag:s16], $0x4000  }
0x18c: {  	[sflag:s16] =	ssyncset.done $0x0  }
0x18d: {  	[sflag:s16] =	ssyncadd.s32 $0xFFFFC000  }
0x18e: {  	[tilespmem:s13], [sflag:$0x1] =	stream.indirect.gather [hbm4b:s4+s12], $0x80, s21, s12, $0xb8;
	[tilespmem:$0x1D000] =	vst v63  }
0x18f: {  	_ =	swait.ge [sflag:s17], $0x4000  }
0x190: {  	[sflag:s17] =	ssyncset.done $0x0  }
0x191: {  	[sflag:s17] =	ssyncadd.s32 $0xFFFFC000  }
0x192: {  	[spmem:s2] =	stream.indirect.scatter.add.f32 [tilespmem:s14], [sflag:$0x4], $0x80, s22, s12, $0xb8;
	[tilespmem:$0x1D000] =	vst v63  }
0x193: {  	_ =	swait.ge [sflag:s18], $0x4000  }
0x194: {  	[sflag:s18] =	ssyncset.done $0x0  }
0x195: {  	[sflag:s18] =	ssyncadd.s32 $0xFFFFC000  }
0x196: {  	[tilespmem:s14], [sflag:$0x2] =	stream.indirect.gather [hbm4b:s4+s12], $0x80, s23, s12, $0xb8;
	[tilespmem:$0x1D000] =	vst v63  }
0x197: {  	_ =	swait.ge [sflag:s15], $0x4000  }
0x198: {  	[sflag:s15] =	ssyncset.done $0x0  }
0x199: {  	[sflag:s15] =	ssyncadd.s32 $0xFFFFC000  }
0x19a: {  	[spmem:s2] =	stream.indirect.scatter.add.f32 [tilespmem:s13], [sflag:$0x3], $0x80, s24, s12, $0xb8;
	[tilespmem:$0x1D000] =	vst v63  }
0x19b: {  	_ =	swait.ge [sflag:s16], $0x4000  }
0x19c: {  	[sflag:s16] =	ssyncset.done $0x0  }
0x19d: {  	[sflag:s16] =	ssyncadd.s32 $0xFFFFC000  }
0x19e: {  	[tilespmem:s13], [sflag:$0x1] =	stream.indirect.gather [hbm4b:s4+s12], $0x80, s25, s12, $0xb8;
	[tilespmem:$0x1D000] =	vst v63  }
0x19f: {  	_ =	swait.ge [sflag:s17], $0x4000  }
0x1a0: {  	[sflag:s17] =	ssyncset.done $0x0  }
0x1a1: {  	[sflag:s17] =	ssyncadd.s32 $0xFFFFC000  }
0x1a2: {  	[spmem:s2] =	stream.indirect.scatter.add.f32 [tilespmem:s14], [sflag:$0x4], $0x80, s26, s12, $0xb8;
	[tilespmem:$0x1D000] =	vst v63  }
0x1a3: {  	_ =	swait.ge [sflag:s18], $0x4000  }
0x1a4: {  	[sflag:s18] =	ssyncset.done $0x0  }
0x1a5: {  	[sflag:s18] =	ssyncadd.s32 $0xFFFFC000  }
0x1a6: {  	[tilespmem:s14], [sflag:$0x2] =	stream.indirect.gather [hbm4b:s4+s12], $0x80, s28, s12, $0xb8;
	[tilespmem:$0x1D000] =	vst v63  }
0x1a7: {  	_ =	swait.ge [sflag:s15], $0x4000  }
0x1a8: {  	[sflag:s15] =	ssyncset.done $0x0  }
0x1a9: {  	[sflag:s15] =	ssyncadd.s32 $0xFFFFC000  }
0x1aa: {  	[spmem:s2] =	stream.indirect.scatter.add.f32 [tilespmem:s13], [sflag:$0x3], $0x80, s29, s12, $0xb8;
	[tilespmem:$0x1D000] =	vst v63  }
0x1ab: {  	_ =	swait.ge [sflag:s16], $0x4000  }
0x1ac: {  	[sflag:s16] =	ssyncset.done $0x0  }
0x1ad: {  	[sflag:s16] =	ssyncadd.s32 $0xFFFFC000  }
0x1ae: {  	[tilespmem:s13], [sflag:$0x1] =	stream.indirect.gather [hbm4b:s4+s12], $0x80, s30, s12, $0xb8;
	[tilespmem:$0x1D000] =	vst v63  }
0x1af: {  	_ =	swait.ge [sflag:s17], $0x4000  }
0x1b0: {  	[sflag:s17] =	ssyncset.done $0x0  }
0x1b1: {  	[sflag:s17] =	ssyncadd.s32 $0xFFFFC000  }
0x1b2: {  	[spmem:s2] =	stream.indirect.scatter.add.f32 [tilespmem:s14], [sflag:$0x4], $0x80, s31, s12, $0xb8;
	[tilespmem:$0x1D000] =	vst v63  }
0x1b3: {  	_ =	swait.ge [sflag:s18], $0x4000  }
0x1b4: {  	[sflag:s18] =	ssyncset.done $0x0  }
0x1b5: {  	[sflag:s18] =	ssyncadd.s32 $0xFFFFC000  }
0x1b6: {  	[tilespmem:s14], [sflag:$0x2] =	stream.indirect.gather [hbm4b:s4+s12], $0x80, s1, s12, $0xb8;
	[tilespmem:$0x1D000] =	vst v63  }
0x1b7: {  	_ =	swait.ge [sflag:s15], $0x4000  }
0x1b8: {  	[sflag:s15] =	ssyncset.done $0x0  }
0x1b9: {  	[sflag:s15] =	ssyncadd.s32 $0xFFFFC000  }
0x1ba: {  	[spmem:s2] =	stream.indirect.scatter.add.f32 [tilespmem:s13], [sflag:$0x3], $0x80, s0, s12, $0xb8;
	[tilespmem:$0x1D000] =	vst v63  }
0x1bb: {  	_ =	swait.ge [sflag:s16], $0x4000  }
0x1bc: {  	[sflag:s16] =	ssyncset.done $0x0  }
0x1bd: {  	[sflag:s16] =	ssyncadd.s32 $0xFFFFC000  }
0x1be: {  	_ =	swait.ge [sflag:s17], $0x4000  }
0x1bf: {  	[sflag:s17] =	ssyncset.done $0x0  }
0x1c0: {  	[sflag:s17] =	ssyncadd.s32 $0xFFFFC000  }
0x1c1: {  	[spmem:s2] =	stream.indirect.scatter.add.f32 [tilespmem:s14], [sflag:$0x4], $0x80, s5, s12, $0xb8;
	[tilespmem:$0x1D000] =	vst v63  }
0x1c2: {  	_ =	swait.ge [sflag:s18], $0x4000  }
0x1c3: {  	[sflag:s18] =	ssyncset.done $0x0  }
0x1c4: {  	[sflag:s18] =	ssyncadd.s32 $0xFFFFC000  }
0x1c5: {  	[bflag:$0x0] =	sbarrier.arrive $0xFFFF  }
0x1c6: {  	s7 =	rddreg [dreg:$0x14]  }
0x1c7: {  	s9 =	rddreg [dreg:$0x15]  }
0x1c8: {  	s8 =	rddreg [dreg:$0x17]  }
0x1c9: {  	[hbm:s9], [sflag:s7] =	dma.local [spmem:s8], $0x2800  }
0x1ca: {  	_ =	swait.ge [sflag:s10], $0x2800  }
0x1cb: {  	s6 =	rddreg [dreg:$0x18]  }
0x1cc: {  	s9 =	sadd.s32 $0x1, s6;
	s6 =	rddreg [dreg:$0x16]  }
0x1cd: {  	p0 =	sne.s32 s9, s6  }
.Ltmp1:
0x1ce: {  	_ = 	snop;
	(pc) =	sbr.rel @p0 .LBB2_1-.Ltmp1, $3  }
0x1cf: {  	_ =	sdelay $0x1  }
0x1d0: {  	[sflag:s10] =	ssyncset.done $0x0  }
0x1d1: {  	[sflag:s10] =	ssyncadd.s32 $0xFFFFD800  }
0x1d2: {  	_ =	sfence.sel $0x180000  }
0x1d3: {  	[bflag:$0x0] =	sbarrier.arrive $0xFFFF  }
0x1d4: {  	_ =	strace $0x9000004A  }
0x1d5: {  	s0 =	stileid.u32;
	[bflag:$0x2] =	sbarrier.arrive $0xFFFF  }
0x1d6: {  	p0 =	sne.s32 s0, $0x0;
	s0 =	rddreg [dreg:$0x2]  }
0x1d7: {  	s0 =	sadd.s32 @!p0 $0x100000, s0  }
0x1d8: {  	[sflag:s0] =	ssyncadd.tile.s32 @!p0 $0x1;
	_ =	shalt  }
.Lfunc_end2:
_tile_overlayer_lowered:
.L_overlay_start_2:
0x1d9: {  	(tag) =	ssettag $0x2  }
0x1da: {  	s0 =	rddreg [dreg:$0x0];
	s2 =	stileid.u32  }
0x1db: {  	s1 =	rddreg [dreg:$0x1];
	p0 =	sne.s32 s2, $0x0  }
0x1dc: {  	s3 =	rddreg [dreg:$0x2];
	[bflag:$0x3] =	sbarrier.arrive $0xFFFF;
	s2 =	simm.s32 @!p0 $0x1C05  }
0x1dd: {  	[timem:s3], [sflag:s2] =	dma.local @!p0 [hbm:s0], s1  }
0x1de: {  	s0 =	simm.s32 @!p0 $0x5  }
0x1df: {  	_ =	swait.ge @!p0 [sflag:s0], s1  }
0x1e0: {  	s1 =	ssub.s32 @!p0 $0x0, s1;
	[sflag:s0] =	ssyncset.done @!p0 $0x0  }
0x1e1: {  	[sflag:s0] =	ssyncadd.s32 @!p0 s1  }
0x1e2: {  	[bflag:$0x3] =	sbarrier.arrive $0xFFFF  }
0x1e3: {  	_ =	shalt  }

// kernel: kernel.14.cloned.1.call-start
scs
__scs_entry_jumppad:
0x0: {  	(pc) =	sbr.rel $0x88, $3  }
0x1: {  	(tag) =	ssettag $0x0;
	lr =	simm.s32 $0x1  }
0x2: {  	[smem:$0x3F9B] =	sst lr;
	_ =	strace $0xD0000000  }
0x3: {  	_ = 	snop  }
0x4: {  	_ = 	snop  }
0x5: {  	_ = 	snop  }
0x6: {  	_ = 	snop  }
0x7: {  	_ = 	snop  }
__scs_overlays_trampoline_lowered:
0x8: {  	[smem:$0x3FAA] =	sst s0  }
0x9: {  	[smem:$0x3FAB] =	sst s1  }
0xa: {  	[smem:$0x3FAC] =	sst s2  }
0xb: {  	[smem:$0x3FAD] =	sst s3  }
0xc: {  	[smem:$0x3FAE] =	sst s4  }
0xd: {  	[smem:$0x3FAF] =	sst s5  }
0xe: {  	[smem:$0x3FB0] =	sst s6  }
0xf: {  	[smem:$0x3FB1] =	sst s7  }
0x10: {  	[smem:$0x3FB2] =	sst s8  }
0x11: {  	[smem:$0x3FB3] =	sst s9;
	s0 =	simm.s32 @!p0 $0x0  }
0x12: {  	s1 =	sld [smem:$0x3F99];
	s0 =	simm.s32 @p0 $0x1  }
0x13: {  	[smem:$0x3FB4] =	sst s0;
	s0 =	simm.s32 @!p1 $0x0  }
0x14: {  	s2 =	sld [smem:$0x3F98];
	s0 =	simm.s32 @p1 $0x1  }
0x15: {  	[smem:$0x3FB5] =	sst s0;
	s0 =	simm.s32 @!p2 $0x0  }
0x16: {  	s3 =	sld [smem:$0x3FDB];
	s0 =	simm.s32 @p2 $0x1  }
0x17: {  	s4 =	simm.s32 $0x1BF5;
	[smem:$0x3FB7] =	sst s0  }
0x18: {  	s0 =	sld [smem:$0x3F9A];
	_ =	swait.ge [sflag:s4], $0x0  }
0x19: {  	s7 =	sld [smem:$0x3F9B]  }
0x1a: {  	s8 =	sadd.s32 $0xFFFFE003, lr  }
0x1b: {  	s9 =	sadd.s32 $0xFFFFFEF7, lr;
	s5 =	simm.s32 $0xFFFFFFFF;
	p2 =	slt.u32 s8, $0xFFFFF086  }
0x1c: {  	p1 =	slt.u32 s9, $0xF7A;
	s5 =	simm.s32 @!p2 $0x0  }
0x1d: {  	s5 =	simm.s32 @p1 $0x1;
	p0 =	seq.s32 s7, s2  }
0x1e: {  	s7 =	smul.u32 @!p0 $0xF7A, s2;
	p2 =	seq.s32 @!p0 s5, $0x0  }
0x1f: {  	s9 =	smul.u32 $0xF7A, s1;
	s8 =	simm.s32 @!p0 $0x1BF5;
	p2 =	por !p2, p0  }
0x20: {  	[sflag:s8] =	ssyncset.s32 @!p0 $0xFFFFF086;
	s6 =	sadd.s32 @!p0 s3, s7;
	s7 =	simm.s32 @!p0 $0x108  }
0x21: {  	s3 =	sadd.s32 s3, s9;
	s6 =	sadd.s32 @!p0 $0x88, s6;
	s7 =	simm.s32 @p2 $0x1082  }
0x22: {  	[simem:s7], [sflag:s8] =	dma.local @!p0 [hbm:s6], $0xF7A  }
0x23: {  	s9 =	sor.u32 $0xD0000000, s2;
	s6 =	simm.s32 $0x108;
	_ =	swait.ge @!p0 [sflag:s8], $0x0  }
0x24: {  	s3 =	sadd.s32 $0x88, s3;
	s6 =	simm.s32 @!p1 $0x1082;
	[sflag:s4] =	ssyncset.s32 $0xFFFFF086  }
0x25: {  	[simem:s6], [sflag:s4] =	dma.local [hbm:s3], $0xF7A  }
0x26: {  	[smem:$0x3F9B] =	sst s1;
	(tag) =	ssettag s2;
	_ =	strace s9  }
0x27: {  	s1 =	sld [smem:$0x3FAB]  }
0x28: {  	s2 =	sld [smem:$0x3FAC]  }
0x29: {  	s4 =	sld [smem:$0x3FAE]  }
0x2a: {  	p0 =	seq.s32 s5, $0x0;
	s5 =	sld [smem:$0x3FAF]  }
0x2b: {  	s6 =	sld [smem:$0x3FB0]  }
0x2c: {  	s7 =	sld [smem:$0x3FB1]  }
0x2d: {  	s3 =	simm.s32 $0x108;
	s8 =	sld [smem:$0x3FB2]  }
0x2e: {  	s3 =	simm.s32 @!p0 $0x1082;
	s9 =	sld [smem:$0x3FB3]  }
0x2f: {  	lr =	sadd.s32 s0, s3;
	s0 =	sld [smem:$0x3FAA]  }
0x30: {  	s3 =	sld [smem:$0x3FAD]  }
0x31: {  	[smem:$0x3FB6] =	sst s10  }
0x32: {  	s10 =	sld [smem:$0x3FB4];
	_ =	sdelay $0x3  }
0x33: {  	p0 =	seq.s32 s10, $0x1;
	s10 =	sld [smem:$0x3FB6];
	_ =	sdelay $0x3  }
0x34: {  	[smem:$0x3FB6] =	sst s10  }
0x35: {  	s10 =	sld [smem:$0x3FB5];
	_ =	sdelay $0x3  }
0x36: {  	p1 =	seq.s32 s10, $0x1;
	s10 =	sld [smem:$0x3FB6];
	_ =	sdelay $0x3  }
0x37: {  	[smem:$0x3FB6] =	sst s10  }
0x38: {  	s10 =	sld [smem:$0x3FB7]  }
0x39: {  	_ = 	snop;
	(pc) =	sbr.ind lr, $3  }
0x3a: {  	_ = 	snop  }
0x3b: {  	_ = 	snop  }
0x3c: {  	p2 =	seq.s32 s10, $0x1;
	s10 =	sld [smem:$0x3FB6]  }
0x3d: {  	_ =	shalt  }
0x3e: {  	_ =	shalt  }
0x3f: {  	_ =	shalt  }
0x40: {  	_ =	shalt  }
0x41: {  	_ =	shalt  }
0x42: {  	_ =	shalt  }
0x43: {  	_ =	shalt  }
0x44: {  	_ =	shalt  }
0x45: {  	_ =	shalt  }
0x46: {  	_ =	shalt  }
0x47: {  	_ =	shalt  }
0x48: {  	_ =	shalt  }
0x49: {  	_ =	shalt  }
0x4a: {  	_ =	shalt  }
0x4b: {  	_ =	shalt  }
0x4c: {  	_ =	shalt  }
0x4d: {  	_ =	shalt  }
0x4e: {  	_ =	shalt  }
0x4f: {  	_ =	shalt  }
0x50: {  	_ =	shalt  }
0x51: {  	_ =	shalt  }
0x52: {  	_ =	shalt  }
0x53: {  	_ =	shalt  }
0x54: {  	_ =	shalt  }
0x55: {  	_ =	shalt  }
0x56: {  	_ =	shalt  }
0x57: {  	_ =	shalt  }
0x58: {  	_ =	shalt  }
0x59: {  	_ =	shalt  }
0x5a: {  	_ =	shalt  }
0x5b: {  	_ =	shalt  }
0x5c: {  	_ =	shalt  }
0x5d: {  	_ =	shalt  }
0x5e: {  	_ =	shalt  }
0x5f: {  	_ =	shalt  }
0x60: {  	_ =	shalt  }
0x61: {  	_ =	shalt  }
0x62: {  	_ =	shalt  }
0x63: {  	_ =	shalt  }
0x64: {  	_ =	shalt  }
0x65: {  	_ =	shalt  }
0x66: {  	_ =	shalt  }
0x67: {  	_ =	shalt  }
0x68: {  	_ =	shalt  }
0x69: {  	_ =	shalt  }
0x6a: {  	_ =	shalt  }
0x6b: {  	_ =	shalt  }
0x6c: {  	_ =	shalt  }
0x6d: {  	_ =	shalt  }
0x6e: {  	_ =	shalt  }
0x6f: {  	_ =	shalt  }
0x70: {  	_ =	shalt  }
0x71: {  	_ =	shalt  }
0x72: {  	_ =	shalt  }
0x73: {  	_ =	shalt  }
0x74: {  	_ =	shalt  }
0x75: {  	_ =	shalt  }
0x76: {  	_ =	shalt  }
0x77: {  	_ =	shalt  }
0x78: {  	_ =	shalt  }
0x79: {  	_ =	shalt  }
0x7a: {  	_ =	shalt  }
0x7b: {  	_ =	shalt  }
0x7c: {  	_ =	shalt  }
0x7d: {  	_ =	shalt  }
0x7e: {  	_ =	shalt  }
0x7f: {  	_ =	shalt  }
0x80: {  	_ =	shalt  }
0x81: {  	_ =	shalt  }
0x82: {  	_ =	shalt  }
0x83: {  	_ =	shalt  }
0x84: {  	_ =	shalt  }
0x85: {  	_ =	shalt  }
0x86: {  	_ =	shalt  }
0x87: {  	_ =	shalt  }
.Lfunc_end0:
.L_simem_size_0:
called_computation.2_lowered:
.L_overlay_start_0:
0x88: {  	s2 =	sld [smem:$0x3FD9]  }
0x89: {  	s3 =	sld [smem:$0x3FFE];
	_ =	sdelay $0x1  }
0x8a: {  	s1 =	srdreg.scid  }
0x8b: {  	s0 =	sand.u32 $0x1, s1  }
0x8c: {  	s16 =	sshll.u32 s0, $0xA;
	s2 =	sadd.s32 s3, s2  }
0x8d: {  	s2 =	sadd.s32 s2, s16  }
0x8e: {  	[smem:$0x3FC2] =	sst s2  }
0x8f: {  	_ = 	snop  }
0x90: {  	(tm) =	ssettm $0x1  }
0x91: {  	s17 =	sld [smem:$0x3FFB];
	_ =	sdelay $0x3  }
0x92: {  	_ =	strace s17  }
0x93: {  	s2 =	sld [smem:$0x3FFC];
	_ =	sdelay $0x3  }
0x94: {  	_ =	strace s2  }
0x95: {  	s2 =	sld [smem:$0x3FFD];
	_ =	sdelay $0x3  }
0x96: {  	_ =	strace s2  }
0x97: {  	_ =	strace $0x8FFFFFFF  }
0x98: {  	s18 =	sld [smem:$0x3FDB];
	_ =	sdelay $0x1  }
0x99: {  	s19 =	simm.s32 $_scs_section_size  }
0x9a: {  	s4 =	simm.s32 $_size__tile_overlayer_lowered;
	s5 =	simm.s32 $_tile_overlayer_lowered  }
0x9b: {  	s22 =	simm.s32 $0x1BFF;
	s21 =	sshll.u32 s5, $0x1;
	s2 =	sadd.s32 s19, s18  }
0x9c: {  	s6 =	simm.s32 $0x0;
	s20 =	sshll.u32 s4, $0x1;
	s4 =	sadd.s32 s21, s2  }
0x9d: {  	[timem:s6], [sflag:s22] =	dma.local [hbm:s4], s20  }
0x9e: {  	_ =	swait.ge [sflag:s22], s20  }
0x9f: {  	s3 =	ssub.s32 $0x0, s20;
	[sflag:s22] =	ssyncset.done $0x0  }
0xa0: {  	[sflag:s22] =	ssyncadd.s32 s3;
	_ =	sdelay $0x1  }
0xa1: {  	s23 =	simm.s32 $0x1B8B  }
0xa2: {  	_ =	swait.ge [sflag:s23], $0x1  }
0xa3: {  	[sflag:s23] =	ssyncset.done $0x0  }
0xa4: {  	s25 =	simm.s32 $0x1B8E;
	s24 =	sld [smem:$0x3FFE];
	[sflag:s23] =	ssyncadd.s32 $0xFFFFFFFF  }
0xa5: {  	s26 =	simm.s32 $execute0_lowered;
	[smem:$0x3FD2] =	sst s25  }
0xa6: {  	s4 =	sshll.u32 s26, $0x1;
	_ =	strace $0x8000004C;
	[dreg:$0x1] =	wrdreg $0xFFFFFFFF  }
0xa7: {  	s28 =	simm.s32 $_size_execute0_lowered;
	s2 =	sadd.s32 s2, s4;
	[dreg:$0x0] =	wrdreg $0x0  }
0xa8: {  	s4 =	sshll.u32 s28, $0x1;
	[dreg:$0x2] =	wrdreg s2  }
0xa9: {  	[dreg:$0x3] =	wrdreg s4  }
0xaa: {  	[dreg:$0x4] =	wrdreg $0xC0  }
0xab: {  	_ =	task [dreg:s6], $0x5FFFF  }
0xac: {  	[dreg:$0x1] =	wrdreg $0xFFFFFFFF  }
0xad: {  	[dreg:$0x0] =	wrdreg $0x60  }
0xae: {  	[dreg:$0x2] =	wrdreg s24  }
0xaf: {  	[dreg:$0x3] =	wrdreg $0x90000  }
0xb0: {  	[dreg:$0x4] =	wrdreg $0x9  }
0xb1: {  	_ =	task.clear_ibuf [dreg:s6], $0x5FFFF;
	_ =	strace $0x9000004C  }
0xb2: {  	s29 =	simm.s32 $0x9;
	_ =	strace $0x8000004E  }
0xb3: {  	_ =	swait.ge [sflag:s29], $0x1  }
0xb4: {  	[sflag:s29] =	ssyncadd.s32 $0xFFFFFFFF  }
0xb5: {  	_ =	strace $0x9000004E  }
0xb6: {  	_ =	sfence  }
0xb7: {  	s30 =	sld [smem:$0x0];
	_ =	sdelay $0x2  }
0xb8: {  	s31 =	sshll.u32 s1, $0xD;
	s1 =	sshrl.u32 s1, $0x2  }
0xb9: {  	s3 =	sand.u32 $0x4000, s31;
	s1 =	sadd.s32 s1, s30  }
0xba: {  	s0 =	sor.u32 s3, s0;
	s1 =	sshll.u32 s1, $0x11  }
0xbb: {  	s0 =	sor.u32 s1, s0  }
0xbc: {  	s0 =	sadd.s32 $0x8F2B, s0  }
0xbd: {  	[sflag:s0] =	ssyncadd.remote.s32 $0x1  }
0xbe: {  	_ =	sfence.sel $0xFFFF  }
0xbf: {  	[dreg:$0x0] =	wrdreg $0xFFFFFFFF;
	(pc) =	sbr.abs _section_cstart, $3  }
0xc0: {  	[dreg:$0x1] =	wrdreg $0xFFFFFFFF  }
0xc1: {  	_ =	task.clear_ibuf [dreg:s6], $0x2FFFF;
	_ =	strace $0x9FFFFFFF  }
0xc2: {  	(tm) =	ssettm $0x7FFFFFFF  }
0xc3: {  	_ =	shalt  }
tec
execute0_lowered:
.L_overlay_start_1:
0x0: {  	(tag) =	ssettag $0x1  }
0x1: {  	s0 =	srdreg.scid;
	s1 =	rddreg [dreg:$0x0]  }
0x2: {  	s9 =	stileid.u32;
	s2 =	rddreg [dreg:$0x1];
	s3 =	simm.s32 $0x0  }
0x3: {  	s12 =	simm.s32 $0x100;
	s14 =	simm.s32 $0x880;
	s15 =	simm.s32 $0x180  }
0x4: {  	s16 =	simm.s32 $0x900;
	s17 =	simm.s32 $0x200;
	s18 =	simm.s32 $0x980  }
0x5: {  	s19 =	simm.s32 $0x280;
	s20 =	simm.s32 $0xA00;
	[smem:$0x7FF] =	sst s3  }
0x6: {  	s21 =	simm.s32 $0x300;
	_ =	strace $0x8000004D;
	[dreg:$0x5] =	wrdreg s12  }
0x7: {  	s22 =	simm.s32 $0xA80;
	s23 =	simm.s32 $0x380;
	[dreg:$0x6] =	wrdreg s14  }
0x8: {  	s24 =	simm.s32 $0xB00;
	s28 =	simm.s32 $0x680;
	[dreg:$0x7] =	wrdreg s15  }
0x9: {  	s29 =	simm.s32 $0xE00;
	s30 =	simm.s32 $0x700;
	[dreg:$0x8] =	wrdreg s16  }
0xa: {  	s31 =	simm.s32 $0xE80;
	s5 =	smul.u32 $0x2800, s9;
	[dreg:$0x9] =	wrdreg s17  }
0xb: {  	s0 =	sand.u32 $0x1, s0;
	s6 =	smul.u32 $0x14000, s9;
	[dreg:$0xa] =	wrdreg s18  }
0xc: {  	s25 =	smul.u32 $0x50000, s9;
	s13 =	sshll.u32 s9, $0x6;
	[dreg:$0xb] =	wrdreg s19  }
0xd: {  	s9 =	simm.s32 $0x0;
	s4 =	smul.u32 $0x28000, s0;
	[dreg:$0xc] =	wrdreg s20  }
0xe: {  	s7 =	smul.u32 $0x140000, s0;
	s0 =	ssub.s32 $0x2, s0;
	[dreg:$0xd] =	wrdreg s21  }
0xf: {  	s12 =	simm.s32 $0x80;
	s14 =	simm.s32 $0x5000;
	[dreg:$0xe] =	wrdreg s22  }
0x10: {  	s15 =	simm.s32 $0x1;
	[dreg:$0xf] =	wrdreg s23;
	s16 =	simm.s32 $0x3  }
0x11: {  	[dreg:$0x10] =	wrdreg s24;
	s17 =	simm.s32 $0x2;
	s18 =	simm.s32 $0x4  }
0x12: {  	s19 =	simm.s32 $0x480;
	s20 =	simm.s32 $0xC00;
	s21 =	simm.s32 $0x500  }
0x13: {  	s22 =	simm.s32 $0xC80;
	s23 =	simm.s32 $0x580;
	s24 =	simm.s32 $0xD00  }
0x14: {  	s8 =	sshrl.u32 s6, $0x3;
	s26 =	sshrl.u32 s0, $0x1;
	s5 =	sadd.s32 s5, s4  }
0x15: {  	s4 =	sadd.s32 $0x3DA00, s1;
	s6 =	sadd.s32 s6, s7;
	s8 =	sadd.s32 s8, s1  }
0x16: {  	s0 =	ssub.s32 s0, s26;
	s7 =	sshrl.u32 s25, $0x2;
	s25 =	simm.s32 $0x400  }
0x17: {  	s26 =	simm.s32 $0xB80;
	s5 =	sshrl.u32 s5, $0x3;
	s6 =	sshrl.u32 s6, $0x3  }
0x18: {  	s11 =	sadd.s32 $0x15A00, s8;
	s0 =	smax.u32 s0, $0x1;
	[dreg:$0x11] =	wrdreg s25  }
0x19: {  	[dreg:$0x12] =	wrdreg s26;
	s25 =	simm.s32 $0x600;
	s26 =	simm.s32 $0xD80  }
0x1a: {  	s5 =	sadd.s32 s5, s1;
	s1 =	sadd.s32 s6, s1;
	[dreg:$0x13] =	wrdreg s11  }
0x1b: {  	s6 =	sadd.s32 s7, s2;
	s7 =	sor.u32 $0x1C05, s13;
	[dreg:$0x16] =	wrdreg s0  }
0x1c: {  	s11 =	simm.s32 $0x800;
	s10 =	sadd.s32 $0x1A00, s5;
	[dreg:$0x14] =	wrdreg s7  }
0x1d: {  	s13 =	simm.s32 $0x1000;
	s5 =	sadd.s32 $0xBA00, s5;
	[dreg:$0x3] =	wrdreg s10  }
0x1e: {  	s0 =	simm.s32 $0xF00;
	s1 =	sadd.s32 $0x65A00, s1;
	[dreg:$0x4] =	wrdreg s5  }
0x1f: {  	s8 =	sshrl.u32 s6, $0x3;
	[dreg:$0x15] =	wrdreg s1;
	s10 =	simm.s32 $0x5  }
0x20: {  	s1 =	simm.s32 $0x780;
	s5 =	simm.s32 $0xF80;
	[dreg:$0x17] =	wrdreg s8  }
.LBB2_1:
0x21: {  	[dreg:$0x18] =	wrdreg s9  }
0x22: {  	s6 =	rddreg [dreg:$0x13]  }
0x23: {  	[spmem:s8], [sflag:s7] =	dma.local [hbm:s6], $0x2800  }
0x24: {  	_ =	swait.ge [sflag:s10], $0x2800  }
0x25: {  	[sflag:s10] =	ssyncset.done $0x0  }
0x26: {  	[sflag:s10] =	ssyncadd.s32 $0xFFFFD800  }
0x27: {  	[bflag:$0x0] =	sbarrier.arrive $0xFFFF  }
0x28: {  	s9 =	rddreg [dreg:$0x4]  }
0x29: {  	s6 =	sadd.s32 $0x0, s9  }
0x2a: {  	[tilespmem:s3], [sflag:$0x5] =	stream.linear.gather [hbm4b:s6+s3], $0x800, $0x38;
	[tilespmem:$0x1D000] =	vst v63  }
0x2b: {  	_ =	swait.ge [sflag:s10], $0x800  }
0x2c: {  	s7 =	rddreg [dreg:$0x3];
	[sflag:s10] =	ssyncset.done $0x0  }
0x2d: {  	[sflag:s10] =	ssyncadd.s32 $0xFFFFF800;
	s6 =	sadd.s32 $0x0, s7  }
0x2e: {  	[tilespmem:s11], [sflag:$0x5] =	stream.linear.gather [hbm4b:s6+s3], $0x800, $0x38;
	[tilespmem:$0x1D000] =	vst v63  }
0x2f: {  	_ =	swait.ge [sflag:s10], $0x800  }
0x30: {  	[sflag:s10] =	ssyncset.done $0x0  }
0x31: {  	[sflag:s10] =	ssyncadd.s32 $0xFFFFF800  }
0x32: {  	[tilespmem:s13], [sflag:$0x1] =	stream.indirect.gather [hbm4b:s4+s12], $0x80, s3, s12, $0xb8;
	[tilespmem:$0x1D000] =	vst v63  }
0x33: {  	_ = 	snop  }
0x34: {  	[tilespmem:s14], [sflag:$0x2] =	stream.indirect.gather [hbm4b:s4+s12], $0x80, s12, s12, $0xb8;
	[tilespmem:$0x1D000] =	vst v63  }
0x35: {  	_ =	swait.ge [sflag:s15], $0x4000  }
0x36: {  	[sflag:s15] =	ssyncset.done $0x0  }
0x37: {  	[sflag:s15] =	ssyncadd.s32 $0xFFFFC000  }
0x38: {  	[spmem:s2] =	stream.indirect.scatter.add.f32 [tilespmem:s13], [sflag:$0x3], $0x80, s11, s12, $0xb8;
	[tilespmem:$0x1D000] =	vst v63  }
0x39: {  	_ =	swait.ge [sflag:s16], $0x4000  }
0x3a: {  	[sflag:s16] =	ssyncset.done $0x0  }
0x3b: {  	s8 =	rddreg [dreg:$0x5];
	[sflag:s16] =	ssyncadd.s32 $0xFFFFC000  }
0x3c: {  	[tilespmem:s13], [sflag:$0x1] =	stream.indirect.gather [hbm4b:s4+s12], $0x80, s8, s12, $0xb8;
	[tilespmem:$0x1D000] =	vst v63  }
0x3d: {  	_ =	swait.ge [sflag:s17], $0x4000  }
0x3e: {  	[sflag:s17] =	ssyncset.done $0x0  }
0x3f: {  	s9 =	rddreg [dreg:$0x6];
	[sflag:s17] =	ssyncadd.s32 $0xFFFFC000  }
0x40: {  	[spmem:s2] =	stream.indirect.scatter.add.f32 [tilespmem:s14], [sflag:$0x4], $0x80, s9, s12, $0xb8;
	[tilespmem:$0x1D000] =	vst v63  }
0x41: {  	_ =	swait.ge [sflag:s18], $0x4000  }
0x42: {  	[sflag:s18] =	ssyncset.done $0x0  }
0x43: {  	s7 =	rddreg [dreg:$0x7];
	[sflag:s18] =	ssyncadd.s32 $0xFFFFC000  }
0x44: {  	[tilespmem:s14], [sflag:$0x2] =	stream.indirect.gather [hbm4b:s4+s12], $0x80, s7, s12, $0xb8;
	[tilespmem:$0x1D000] =	vst v63  }
0x45: {  	_ =	swait.ge [sflag:s15], $0x4000  }
0x46: {  	[sflag:s15] =	ssyncset.done $0x0  }
0x47: {  	s8 =	rddreg [dreg:$0x8];
	[sflag:s15] =	ssyncadd.s32 $0xFFFFC000  }
0x48: {  	[spmem:s2] =	stream.indirect.scatter.add.f32 [tilespmem:s13], [sflag:$0x3], $0x80, s8, s12, $0xb8;
	[tilespmem:$0x1D000] =	vst v63  }
0x49: {  	_ =	swait.ge [sflag:s16], $0x4000  }
0x4a: {  	[sflag:s16] =	ssyncset.done $0x0  }
0x4b: {  	s9 =	rddreg [dreg:$0x9];
	[sflag:s16] =	ssyncadd.s32 $0xFFFFC000  }
0x4c: {  	[tilespmem:s13], [sflag:$0x1] =	stream.indirect.gather [hbm4b:s4+s12], $0x80, s9, s12, $0xb8;
	[tilespmem:$0x1D000] =	vst v63  }
0x4d: {  	_ =	swait.ge [sflag:s17], $0x4000  }
0x4e: {  	[sflag:s17] =	ssyncset.done $0x0  }
0x4f: {  	s7 =	rddreg [dreg:$0xa];
	[sflag:s17] =	ssyncadd.s32 $0xFFFFC000  }
0x50: {  	[spmem:s2] =	stream.indirect.scatter.add.f32 [tilespmem:s14], [sflag:$0x4], $0x80, s7, s12, $0xb8;
	[tilespmem:$0x1D000] =	vst v63  }
0x51: {  	_ =	swait.ge [sflag:s18], $0x4000  }
0x52: {  	[sflag:s18] =	ssyncset.done $0x0  }
0x53: {  	s8 =	rddreg [dreg:$0xb];
	[sflag:s18] =	ssyncadd.s32 $0xFFFFC000  }
0x54: {  	[tilespmem:s14], [sflag:$0x2] =	stream.indirect.gather [hbm4b:s4+s12], $0x80, s8, s12, $0xb8;
	[tilespmem:$0x1D000] =	vst v63  }
0x55: {  	_ =	swait.ge [sflag:s15], $0x4000  }
0x56: {  	[sflag:s15] =	ssyncset.done $0x0  }
0x57: {  	s9 =	rddreg [dreg:$0xc];
	[sflag:s15] =	ssyncadd.s32 $0xFFFFC000  }
0x58: {  	[spmem:s2] =	stream.indirect.scatter.add.f32 [tilespmem:s13], [sflag:$0x3], $0x80, s9, s12, $0xb8;
	[tilespmem:$0x1D000] =	vst v63  }
0x59: {  	_ =	swait.ge [sflag:s16], $0x4000  }
0x5a: {  	[sflag:s16] =	ssyncset.done $0x0  }
0x5b: {  	s7 =	rddreg [dreg:$0xd];
	[sflag:s16] =	ssyncadd.s32 $0xFFFFC000  }
0x5c: {  	[tilespmem:s13], [sflag:$0x1] =	stream.indirect.gather [hbm4b:s4+s12], $0x80, s7, s12, $0xb8;
	[tilespmem:$0x1D000] =	vst v63  }
0x5d: {  	_ =	swait.ge [sflag:s17], $0x4000  }
0x5e: {  	[sflag:s17] =	ssyncset.done $0x0  }
0x5f: {  	s8 =	rddreg [dreg:$0xe];
	[sflag:s17] =	ssyncadd.s32 $0xFFFFC000  }
0x60: {  	[spmem:s2] =	stream.indirect.scatter.add.f32 [tilespmem:s14], [sflag:$0x4], $0x80, s8, s12, $0xb8;
	[tilespmem:$0x1D000] =	vst v63  }
0x61: {  	_ =	swait.ge [sflag:s18], $0x4000  }
0x62: {  	[sflag:s18] =	ssyncset.done $0x0  }
0x63: {  	s9 =	rddreg [dreg:$0xf];
	[sflag:s18] =	ssyncadd.s32 $0xFFFFC000  }
0x64: {  	[tilespmem:s14], [sflag:$0x2] =	stream.indirect.gather [hbm4b:s4+s12], $0x80, s9, s12, $0xb8;
	[tilespmem:$0x1D000] =	vst v63  }
0x65: {  	_ =	swait.ge [sflag:s15], $0x4000  }
0x66: {  	[sflag:s15] =	ssyncset.done $0x0  }
0x67: {  	s7 =	rddreg [dreg:$0x10];
	[sflag:s15] =	ssyncadd.s32 $0xFFFFC000  }
0x68: {  	[spmem:s2] =	stream.indirect.scatter.add.f32 [tilespmem:s13], [sflag:$0x3], $0x80, s7, s12, $0xb8;
	[tilespmem:$0x1D000] =	vst v63  }
0x69: {  	_ =	swait.ge [sflag:s16], $0x4000  }
0x6a: {  	[sflag:s16] =	ssyncset.done $0x0  }
0x6b: {  	s8 =	rddreg [dreg:$0x11];
	[sflag:s16] =	ssyncadd.s32 $0xFFFFC000  }
0x6c: {  	[tilespmem:s13], [sflag:$0x1] =	stream.indirect.gather [hbm4b:s4+s12], $0x80, s8, s12, $0xb8;
	[tilespmem:$0x1D000] =	vst v63  }
0x6d: {  	_ =	swait.ge [sflag:s17], $0x4000  }
0x6e: {  	[sflag:s17] =	ssyncset.done $0x0  }
0x6f: {  	s9 =	rddreg [dreg:$0x12];
	[sflag:s17] =	ssyncadd.s32 $0xFFFFC000  }
0x70: {  	[spmem:s2] =	stream.indirect.scatter.add.f32 [tilespmem:s14], [sflag:$0x4], $0x80, s9, s12, $0xb8;
	[tilespmem:$0x1D000] =	vst v63  }
0x71: {  	_ =	swait.ge [sflag:s18], $0x4000  }
0x72: {  	[sflag:s18] =	ssyncset.done $0x0  }
0x73: {  	[sflag:s18] =	ssyncadd.s32 $0xFFFFC000  }
0x74: {  	[tilespmem:s14], [sflag:$0x2] =	stream.indirect.gather [hbm4b:s4+s12], $0x80, s19, s12, $0xb8;
	[tilespmem:$0x1D000] =	vst v63  }
0x75: {  	_ =	swait.ge [sflag:s15], $0x4000  }
0x76: {  	[sflag:s15] =	ssyncset.done $0x0  }
0x77: {  	[sflag:s15] =	ssyncadd.s32 $0xFFFFC000  }
0x78: {  	[spmem:s2] =	stream.indirect.scatter.add.f32 [tilespmem:s13], [sflag:$0x3], $0x80, s20, s12, $0xb8;
	[tilespmem:$0x1D000] =	vst v63  }
0x79: {  	_ =	swait.ge [sflag:s16], $0x4000  }
0x7a: {  	[sflag:s16] =	ssyncset.done $0x0  }
0x7b: {  	[sflag:s16] =	ssyncadd.s32 $0xFFFFC000  }
0x7c: {  	[tilespmem:s13], [sflag:$0x1] =	stream.indirect.gather [hbm4b:s4+s12], $0x80, s21, s12, $0xb8;
	[tilespmem:$0x1D000] =	vst v63  }
0x7d: {  	_ =	swait.ge [sflag:s17], $0x4000  }
0x7e: {  	[sflag:s17] =	ssyncset.done $0x0  }
0x7f: {  	[sflag:s17] =	ssyncadd.s32 $0xFFFFC000  }
0x80: {  	[spmem:s2] =	stream.indirect.scatter.add.f32 [tilespmem:s14], [sflag:$0x4], $0x80, s22, s12, $0xb8;
	[tilespmem:$0x1D000] =	vst v63  }
0x81: {  	_ =	swait.ge [sflag:s18], $0x4000  }
0x82: {  	[sflag:s18] =	ssyncset.done $0x0  }
0x83: {  	[sflag:s18] =	ssyncadd.s32 $0xFFFFC000  }
0x84: {  	[tilespmem:s14], [sflag:$0x2] =	stream.indirect.gather [hbm4b:s4+s12], $0x80, s23, s12, $0xb8;
	[tilespmem:$0x1D000] =	vst v63  }
0x85: {  	_ =	swait.ge [sflag:s15], $0x4000  }
0x86: {  	[sflag:s15] =	ssyncset.done $0x0  }
0x87: {  	[sflag:s15] =	ssyncadd.s32 $0xFFFFC000  }
0x88: {  	[spmem:s2] =	stream.indirect.scatter.add.f32 [tilespmem:s13], [sflag:$0x3], $0x80, s24, s12, $0xb8;
	[tilespmem:$0x1D000] =	vst v63  }
0x89: {  	_ =	swait.ge [sflag:s16], $0x4000  }
0x8a: {  	[sflag:s16] =	ssyncset.done $0x0  }
0x8b: {  	[sflag:s16] =	ssyncadd.s32 $0xFFFFC000  }
0x8c: {  	[tilespmem:s13], [sflag:$0x1] =	stream.indirect.gather [hbm4b:s4+s12], $0x80, s25, s12, $0xb8;
	[tilespmem:$0x1D000] =	vst v63  }
0x8d: {  	_ =	swait.ge [sflag:s17], $0x4000  }
0x8e: {  	[sflag:s17] =	ssyncset.done $0x0  }
0x8f: {  	[sflag:s17] =	ssyncadd.s32 $0xFFFFC000  }
0x90: {  	[spmem:s2] =	stream.indirect.scatter.add.f32 [tilespmem:s14], [sflag:$0x4], $0x80, s26, s12, $0xb8;
	[tilespmem:$0x1D000] =	vst v63  }
0x91: {  	_ =	swait.ge [sflag:s18], $0x4000  }
0x92: {  	[sflag:s18] =	ssyncset.done $0x0  }
0x93: {  	[sflag:s18] =	ssyncadd.s32 $0xFFFFC000  }
0x94: {  	[tilespmem:s14], [sflag:$0x2] =	stream.indirect.gather [hbm4b:s4+s12], $0x80, s28, s12, $0xb8;
	[tilespmem:$0x1D000] =	vst v63  }
0x95: {  	_ =	swait.ge [sflag:s15], $0x4000  }
0x96: {  	[sflag:s15] =	ssyncset.done $0x0  }
0x97: {  	[sflag:s15] =	ssyncadd.s32 $0xFFFFC000  }
0x98: {  	[spmem:s2] =	stream.indirect.scatter.add.f32 [tilespmem:s13], [sflag:$0x3], $0x80, s29, s12, $0xb8;
	[tilespmem:$0x1D000] =	vst v63  }
0x99: {  	_ =	swait.ge [sflag:s16], $0x4000  }
0x9a: {  	[sflag:s16] =	ssyncset.done $0x0  }
0x9b: {  	[sflag:s16] =	ssyncadd.s32 $0xFFFFC000  }
0x9c: {  	[tilespmem:s13], [sflag:$0x1] =	stream.indirect.gather [hbm4b:s4+s12], $0x80, s30, s12, $0xb8;
	[tilespmem:$0x1D000] =	vst v63  }
0x9d: {  	_ =	swait.ge [sflag:s17], $0x4000  }
0x9e: {  	[sflag:s17] =	ssyncset.done $0x0  }
0x9f: {  	[sflag:s17] =	ssyncadd.s32 $0xFFFFC000  }
0xa0: {  	[spmem:s2] =	stream.indirect.scatter.add.f32 [tilespmem:s14], [sflag:$0x4], $0x80, s31, s12, $0xb8;
	[tilespmem:$0x1D000] =	vst v63  }
0xa1: {  	_ =	swait.ge [sflag:s18], $0x4000  }
0xa2: {  	[sflag:s18] =	ssyncset.done $0x0  }
0xa3: {  	[sflag:s18] =	ssyncadd.s32 $0xFFFFC000  }
0xa4: {  	[tilespmem:s14], [sflag:$0x2] =	stream.indirect.gather [hbm4b:s4+s12], $0x80, s1, s12, $0xb8;
	[tilespmem:$0x1D000] =	vst v63  }
0xa5: {  	_ =	swait.ge [sflag:s15], $0x4000  }
0xa6: {  	[sflag:s15] =	ssyncset.done $0x0  }
0xa7: {  	[sflag:s15] =	ssyncadd.s32 $0xFFFFC000  }
0xa8: {  	[spmem:s2] =	stream.indirect.scatter.add.f32 [tilespmem:s13], [sflag:$0x3], $0x80, s0, s12, $0xb8;
	[tilespmem:$0x1D000] =	vst v63  }
0xa9: {  	_ =	swait.ge [sflag:s16], $0x4000  }
0xaa: {  	[sflag:s16] =	ssyncset.done $0x0  }
0xab: {  	[sflag:s16] =	ssyncadd.s32 $0xFFFFC000  }
0xac: {  	_ =	swait.ge [sflag:s17], $0x4000  }
0xad: {  	[sflag:s17] =	ssyncset.done $0x0  }
0xae: {  	[sflag:s17] =	ssyncadd.s32 $0xFFFFC000  }
0xaf: {  	[spmem:s2] =	stream.indirect.scatter.add.f32 [tilespmem:s14], [sflag:$0x4], $0x80, s5, s12, $0xb8;
	[tilespmem:$0x1D000] =	vst v63  }
0xb0: {  	s6 =	simm.s32 $0x200;
	_ =	swait.ge [sflag:s18], $0x4000  }
0xb1: {  	s8 =	simm.s32 $0x100;
	s9 =	rddreg [dreg:$0x4];
	[sflag:s18] =	ssyncset.done $0x0  }
.LBB2_2:
0xb2: {  	[sflag:s18] =	ssyncadd.s32 $0xFFFFC000;
	s9 =	sadd.s32 s8, s9  }
0xb3: {  	[tilespmem:s3], [sflag:$0x5] =	stream.linear.gather [hbm4b:s9+s3], $0x800, $0x38;
	[tilespmem:$0x1D000] =	vst v63  }
0xb4: {  	_ =	swait.ge [sflag:s10], $0x800  }
0xb5: {  	s9 =	rddreg [dreg:$0x3];
	[sflag:s10] =	ssyncset.done $0x0  }
0xb6: {  	[sflag:s10] =	ssyncadd.s32 $0xFFFFF800;
	s9 =	sadd.s32 s8, s9  }
0xb7: {  	[tilespmem:s11], [sflag:$0x5] =	stream.linear.gather [hbm4b:s9+s3], $0x800, $0x38;
	[tilespmem:$0x1D000] =	vst v63  }
0xb8: {  	_ =	swait.ge [sflag:s10], $0x800  }
0xb9: {  	[sflag:s10] =	ssyncset.done $0x0  }
0xba: {  	[sflag:s10] =	ssyncadd.s32 $0xFFFFF800  }
0xbb: {  	[tilespmem:s13], [sflag:$0x1] =	stream.indirect.gather [hbm4b:s4+s12], $0x80, s3, s12, $0xb8;
	[tilespmem:$0x1D000] =	vst v63  }
0xbc: {  	_ = 	snop  }
0xbd: {  	[tilespmem:s14], [sflag:$0x2] =	stream.indirect.gather [hbm4b:s4+s12], $0x80, s12, s12, $0xb8;
	[tilespmem:$0x1D000] =	vst v63  }
0xbe: {  	_ =	swait.ge [sflag:s15], $0x4000  }
0xbf: {  	[sflag:s15] =	ssyncset.done $0x0  }
0xc0: {  	[sflag:s15] =	ssyncadd.s32 $0xFFFFC000  }
0xc1: {  	[spmem:s2] =	stream.indirect.scatter.add.f32 [tilespmem:s13], [sflag:$0x3], $0x80, s11, s12, $0xb8;
	[tilespmem:$0x1D000] =	vst v63  }
0xc2: {  	_ =	swait.ge [sflag:s16], $0x4000  }
0xc3: {  	[sflag:s16] =	ssyncset.done $0x0  }
0xc4: {  	s9 =	rddreg [dreg:$0x5];
	[sflag:s16] =	ssyncadd.s32 $0xFFFFC000  }
0xc5: {  	[tilespmem:s13], [sflag:$0x1] =	stream.indirect.gather [hbm4b:s4+s12], $0x80, s9, s12, $0xb8;
	[tilespmem:$0x1D000] =	vst v63  }
0xc6: {  	_ =	swait.ge [sflag:s17], $0x4000  }
0xc7: {  	[sflag:s17] =	ssyncset.done $0x0  }
0xc8: {  	s9 =	rddreg [dreg:$0x6];
	[sflag:s17] =	ssyncadd.s32 $0xFFFFC000  }
0xc9: {  	[spmem:s2] =	stream.indirect.scatter.add.f32 [tilespmem:s14], [sflag:$0x4], $0x80, s9, s12, $0xb8;
	[tilespmem:$0x1D000] =	vst v63  }
0xca: {  	_ =	swait.ge [sflag:s18], $0x4000  }
0xcb: {  	[sflag:s18] =	ssyncset.done $0x0  }
0xcc: {  	s9 =	rddreg [dreg:$0x7];
	[sflag:s18] =	ssyncadd.s32 $0xFFFFC000  }
0xcd: {  	[tilespmem:s14], [sflag:$0x2] =	stream.indirect.gather [hbm4b:s4+s12], $0x80, s9, s12, $0xb8;
	[tilespmem:$0x1D000] =	vst v63  }
0xce: {  	_ =	swait.ge [sflag:s15], $0x4000  }
0xcf: {  	[sflag:s15] =	ssyncset.done $0x0  }
0xd0: {  	s9 =	rddreg [dreg:$0x8];
	[sflag:s15] =	ssyncadd.s32 $0xFFFFC000  }
0xd1: {  	[spmem:s2] =	stream.indirect.scatter.add.f32 [tilespmem:s13], [sflag:$0x3], $0x80, s9, s12, $0xb8;
	[tilespmem:$0x1D000] =	vst v63  }
0xd2: {  	_ =	swait.ge [sflag:s16], $0x4000  }
0xd3: {  	[sflag:s16] =	ssyncset.done $0x0  }
0xd4: {  	s9 =	rddreg [dreg:$0x9];
	[sflag:s16] =	ssyncadd.s32 $0xFFFFC000  }
0xd5: {  	[tilespmem:s13], [sflag:$0x1] =	stream.indirect.gather [hbm4b:s4+s12], $0x80, s9, s12, $0xb8;
	[tilespmem:$0x1D000] =	vst v63  }
0xd6: {  	_ =	swait.ge [sflag:s17], $0x4000  }
0xd7: {  	[sflag:s17] =	ssyncset.done $0x0  }
0xd8: {  	s9 =	rddreg [dreg:$0xa];
	[sflag:s17] =	ssyncadd.s32 $0xFFFFC000  }
0xd9: {  	[spmem:s2] =	stream.indirect.scatter.add.f32 [tilespmem:s14], [sflag:$0x4], $0x80, s9, s12, $0xb8;
	[tilespmem:$0x1D000] =	vst v63  }
0xda: {  	_ =	swait.ge [sflag:s18], $0x4000  }
0xdb: {  	[sflag:s18] =	ssyncset.done $0x0  }
0xdc: {  	s9 =	rddreg [dreg:$0xb];
	[sflag:s18] =	ssyncadd.s32 $0xFFFFC000  }
0xdd: {  	[tilespmem:s14], [sflag:$0x2] =	stream.indirect.gather [hbm4b:s4+s12], $0x80, s9, s12, $0xb8;
	[tilespmem:$0x1D000] =	vst v63  }
0xde: {  	_ =	swait.ge [sflag:s15], $0x4000  }
0xdf: {  	[sflag:s15] =	ssyncset.done $0x0  }
0xe0: {  	s9 =	rddreg [dreg:$0xc];
	[sflag:s15] =	ssyncadd.s32 $0xFFFFC000  }
0xe1: {  	[spmem:s2] =	stream.indirect.scatter.add.f32 [tilespmem:s13], [sflag:$0x3], $0x80, s9, s12, $0xb8;
	[tilespmem:$0x1D000] =	vst v63  }
0xe2: {  	_ =	swait.ge [sflag:s16], $0x4000  }
0xe3: {  	[sflag:s16] =	ssyncset.done $0x0  }
0xe4: {  	s9 =	rddreg [dreg:$0xd];
	[sflag:s16] =	ssyncadd.s32 $0xFFFFC000  }
0xe5: {  	[tilespmem:s13], [sflag:$0x1] =	stream.indirect.gather [hbm4b:s4+s12], $0x80, s9, s12, $0xb8;
	[tilespmem:$0x1D000] =	vst v63  }
0xe6: {  	_ =	swait.ge [sflag:s17], $0x4000  }
0xe7: {  	[sflag:s17] =	ssyncset.done $0x0  }
0xe8: {  	s9 =	rddreg [dreg:$0xe];
	[sflag:s17] =	ssyncadd.s32 $0xFFFFC000  }
0xe9: {  	[spmem:s2] =	stream.indirect.scatter.add.f32 [tilespmem:s14], [sflag:$0x4], $0x80, s9, s12, $0xb8;
	[tilespmem:$0x1D000] =	vst v63  }
0xea: {  	_ =	swait.ge [sflag:s18], $0x4000  }
0xeb: {  	[sflag:s18] =	ssyncset.done $0x0  }
0xec: {  	s9 =	rddreg [dreg:$0xf];
	[sflag:s18] =	ssyncadd.s32 $0xFFFFC000  }
0xed: {  	[tilespmem:s14], [sflag:$0x2] =	stream.indirect.gather [hbm4b:s4+s12], $0x80, s9, s12, $0xb8;
	[tilespmem:$0x1D000] =	vst v63  }
0xee: {  	_ =	swait.ge [sflag:s15], $0x4000  }
0xef: {  	[sflag:s15] =	ssyncset.done $0x0  }
0xf0: {  	s9 =	rddreg [dreg:$0x10];
	[sflag:s15] =	ssyncadd.s32 $0xFFFFC000  }
0xf1: {  	[spmem:s2] =	stream.indirect.scatter.add.f32 [tilespmem:s13], [sflag:$0x3], $0x80, s9, s12, $0xb8;
	[tilespmem:$0x1D000] =	vst v63  }
0xf2: {  	_ =	swait.ge [sflag:s16], $0x4000  }
0xf3: {  	[sflag:s16] =	ssyncset.done $0x0  }
0xf4: {  	s9 =	rddreg [dreg:$0x11];
	[sflag:s16] =	ssyncadd.s32 $0xFFFFC000  }
0xf5: {  	[tilespmem:s13], [sflag:$0x1] =	stream.indirect.gather [hbm4b:s4+s12], $0x80, s9, s12, $0xb8;
	[tilespmem:$0x1D000] =	vst v63  }
0xf6: {  	_ =	swait.ge [sflag:s17], $0x4000  }
0xf7: {  	[sflag:s17] =	ssyncset.done $0x0  }
0xf8: {  	s9 =	rddreg [dreg:$0x12];
	[sflag:s17] =	ssyncadd.s32 $0xFFFFC000  }
0xf9: {  	[spmem:s2] =	stream.indirect.scatter.add.f32 [tilespmem:s14], [sflag:$0x4], $0x80, s9, s12, $0xb8;
	[tilespmem:$0x1D000] =	vst v63  }
0xfa: {  	_ =	swait.ge [sflag:s18], $0x4000  }
0xfb: {  	[sflag:s18] =	ssyncset.done $0x0  }
0xfc: {  	[sflag:s18] =	ssyncadd.s32 $0xFFFFC000  }
0xfd: {  	[tilespmem:s14], [sflag:$0x2] =	stream.indirect.gather [hbm4b:s4+s12], $0x80, s19, s12, $0xb8;
	[tilespmem:$0x1D000] =	vst v63  }
0xfe: {  	_ =	swait.ge [sflag:s15], $0x4000  }
0xff: {  	[sflag:s15] =	ssyncset.done $0x0  }
0x100: {  	[sflag:s15] =	ssyncadd.s32 $0xFFFFC000  }
0x101: {  	[spmem:s2] =	stream.indirect.scatter.add.f32 [tilespmem:s13], [sflag:$0x3], $0x80, s20, s12, $0xb8;
	[tilespmem:$0x1D000] =	vst v63  }
0x102: {  	_ =	swait.ge [sflag:s16], $0x4000  }
0x103: {  	[sflag:s16] =	ssyncset.done $0x0  }
0x104: {  	[sflag:s16] =	ssyncadd.s32 $0xFFFFC000  }
0x105: {  	[tilespmem:s13], [sflag:$0x1] =	stream.indirect.gather [hbm4b:s4+s12], $0x80, s21, s12, $0xb8;
	[tilespmem:$0x1D000] =	vst v63  }
0x106: {  	_ =	swait.ge [sflag:s17], $0x4000  }
0x107: {  	[sflag:s17] =	ssyncset.done $0x0  }
0x108: {  	[sflag:s17] =	ssyncadd.s32 $0xFFFFC000  }
0x109: {  	[spmem:s2] =	stream.indirect.scatter.add.f32 [tilespmem:s14], [sflag:$0x4], $0x80, s22, s12, $0xb8;
	[tilespmem:$0x1D000] =	vst v63  }
0x10a: {  	_ =	swait.ge [sflag:s18], $0x4000  }
0x10b: {  	[sflag:s18] =	ssyncset.done $0x0  }
0x10c: {  	[sflag:s18] =	ssyncadd.s32 $0xFFFFC000  }
0x10d: {  	[tilespmem:s14], [sflag:$0x2] =	stream.indirect.gather [hbm4b:s4+s12], $0x80, s23, s12, $0xb8;
	[tilespmem:$0x1D000] =	vst v63  }
0x10e: {  	_ =	swait.ge [sflag:s15], $0x4000  }
0x10f: {  	[sflag:s15] =	ssyncset.done $0x0  }
0x110: {  	[sflag:s15] =	ssyncadd.s32 $0xFFFFC000  }
0x111: {  	[spmem:s2] =	stream.indirect.scatter.add.f32 [tilespmem:s13], [sflag:$0x3], $0x80, s24, s12, $0xb8;
	[tilespmem:$0x1D000] =	vst v63  }
0x112: {  	_ =	swait.ge [sflag:s16], $0x4000  }
0x113: {  	[sflag:s16] =	ssyncset.done $0x0  }
0x114: {  	[sflag:s16] =	ssyncadd.s32 $0xFFFFC000  }
0x115: {  	[tilespmem:s13], [sflag:$0x1] =	stream.indirect.gather [hbm4b:s4+s12], $0x80, s25, s12, $0xb8;
	[tilespmem:$0x1D000] =	vst v63  }
0x116: {  	_ =	swait.ge [sflag:s17], $0x4000  }
0x117: {  	[sflag:s17] =	ssyncset.done $0x0  }
0x118: {  	[sflag:s17] =	ssyncadd.s32 $0xFFFFC000  }
0x119: {  	[spmem:s2] =	stream.indirect.scatter.add.f32 [tilespmem:s14], [sflag:$0x4], $0x80, s26, s12, $0xb8;
	[tilespmem:$0x1D000] =	vst v63  }
0x11a: {  	_ =	swait.ge [sflag:s18], $0x4000  }
0x11b: {  	[sflag:s18] =	ssyncset.done $0x0  }
0x11c: {  	[sflag:s18] =	ssyncadd.s32 $0xFFFFC000  }
0x11d: {  	[tilespmem:s14], [sflag:$0x2] =	stream.indirect.gather [hbm4b:s4+s12], $0x80, s28, s12, $0xb8;
	[tilespmem:$0x1D000] =	vst v63  }
0x11e: {  	_ =	swait.ge [sflag:s15], $0x4000  }
0x11f: {  	[sflag:s15] =	ssyncset.done $0x0  }
0x120: {  	[sflag:s15] =	ssyncadd.s32 $0xFFFFC000  }
0x121: {  	[spmem:s2] =	stream.indirect.scatter.add.f32 [tilespmem:s13], [sflag:$0x3], $0x80, s29, s12, $0xb8;
	[tilespmem:$0x1D000] =	vst v63  }
0x122: {  	_ =	swait.ge [sflag:s16], $0x4000  }
0x123: {  	[sflag:s16] =	ssyncset.done $0x0  }
0x124: {  	[sflag:s16] =	ssyncadd.s32 $0xFFFFC000  }
0x125: {  	[tilespmem:s13], [sflag:$0x1] =	stream.indirect.gather [hbm4b:s4+s12], $0x80, s30, s12, $0xb8;
	[tilespmem:$0x1D000] =	vst v63  }
0x126: {  	_ =	swait.ge [sflag:s17], $0x4000  }
0x127: {  	[sflag:s17] =	ssyncset.done $0x0  }
0x128: {  	[sflag:s17] =	ssyncadd.s32 $0xFFFFC000  }
0x129: {  	[spmem:s2] =	stream.indirect.scatter.add.f32 [tilespmem:s14], [sflag:$0x4], $0x80, s31, s12, $0xb8;
	[tilespmem:$0x1D000] =	vst v63  }
0x12a: {  	_ =	swait.ge [sflag:s18], $0x4000  }
0x12b: {  	[sflag:s18] =	ssyncset.done $0x0  }
0x12c: {  	[sflag:s18] =	ssyncadd.s32 $0xFFFFC000  }
0x12d: {  	[tilespmem:s14], [sflag:$0x2] =	stream.indirect.gather [hbm4b:s4+s12], $0x80, s1, s12, $0xb8;
	[tilespmem:$0x1D000] =	vst v63  }
0x12e: {  	_ =	swait.ge [sflag:s15], $0x4000  }
0x12f: {  	[sflag:s15] =	ssyncset.done $0x0  }
0x130: {  	[sflag:s15] =	ssyncadd.s32 $0xFFFFC000  }
0x131: {  	[spmem:s2] =	stream.indirect.scatter.add.f32 [tilespmem:s13], [sflag:$0x3], $0x80, s0, s12, $0xb8;
	[tilespmem:$0x1D000] =	vst v63  }
0x132: {  	_ =	swait.ge [sflag:s16], $0x4000  }
0x133: {  	[sflag:s16] =	ssyncset.done $0x0  }
0x134: {  	[sflag:s16] =	ssyncadd.s32 $0xFFFFC000  }
0x135: {  	p0 =	sne.s32 s6, $0x400;
	_ =	swait.ge [sflag:s17], $0x4000  }
.Ltmp0:
0x136: {  	[sflag:s17] =	ssyncset.done $0x0;
	(pc) =	sbr.rel @p0 .LBB2_2-.Ltmp0, $4  }
0x137: {  	[sflag:s17] =	ssyncadd.s32 $0xFFFFC000  }
0x138: {  	[spmem:s2] =	stream.indirect.scatter.add.f32 [tilespmem:s14], [sflag:$0x4], $0x80, s5, s12, $0xb8;
	[tilespmem:$0x1D000] =	vst v63  }
0x139: {  	s7 =	smov.u32 s6;
	s6 =	sadd.s32 $0x100, s6;
	_ =	swait.ge [sflag:s18], $0x4000  }
0x13a: {  	s8 =	smov.u32 s7;
	s9 =	rddreg [dreg:$0x4];
	[sflag:s18] =	ssyncset.done $0x0  }
0x13b: {  	[sflag:s18] =	ssyncadd.s32 $0xFFFFC000;
	s6 =	sadd.s32 s8, s9  }
0x13c: {  	[tilespmem:s3], [sflag:$0x5] =	stream.linear.gather [hbm4b:s6+s3], $0x800, $0x38;
	[tilespmem:$0x1D000] =	vst v63  }
0x13d: {  	_ =	swait.ge [sflag:s10], $0x800  }
0x13e: {  	s9 =	rddreg [dreg:$0x3];
	[sflag:s10] =	ssyncset.done $0x0  }
0x13f: {  	s6 =	sadd.s32 s8, s9;
	[sflag:s10] =	ssyncadd.s32 $0xFFFFF800  }
0x140: {  	[tilespmem:s11], [sflag:$0x5] =	stream.linear.gather [hbm4b:s6+s3], $0x800, $0x38;
	[tilespmem:$0x1D000] =	vst v63  }
0x141: {  	_ =	swait.ge [sflag:s10], $0x800  }
0x142: {  	[sflag:s10] =	ssyncset.done $0x0  }
0x143: {  	[sflag:s10] =	ssyncadd.s32 $0xFFFFF800  }
0x144: {  	[tilespmem:s13], [sflag:$0x1] =	stream.indirect.gather [hbm4b:s4+s12], $0x80, s3, s12, $0xb8;
	[tilespmem:$0x1D000] =	vst v63  }
0x145: {  	_ = 	snop  }
0x146: {  	[tilespmem:s14], [sflag:$0x2] =	stream.indirect.gather [hbm4b:s4+s12], $0x80, s12, s12, $0xb8;
	[tilespmem:$0x1D000] =	vst v63  }
0x147: {  	_ =	swait.ge [sflag:s15], $0x4000  }
0x148: {  	[sflag:s15] =	ssyncset.done $0x0  }
0x149: {  	[sflag:s15] =	ssyncadd.s32 $0xFFFFC000  }
0x14a: {  	[spmem:s2] =	stream.indirect.scatter.add.f32 [tilespmem:s13], [sflag:$0x3], $0x80, s11, s12, $0xb8;
	[tilespmem:$0x1D000] =	vst v63  }
0x14b: {  	_ =	swait.ge [sflag:s16], $0x4000  }
0x14c: {  	[sflag:s16] =	ssyncset.done $0x0  }
0x14d: {  	s7 =	rddreg [dreg:$0x5];
	[sflag:s16] =	ssyncadd.s32 $0xFFFFC000  }
0x14e: {  	[tilespmem:s13], [sflag:$0x1] =	stream.indirect.gather [hbm4b:s4+s12], $0x80, s7, s12, $0xb8;
	[tilespmem:$0x1D000] =	vst v63  }
0x14f: {  	_ =	swait.ge [sflag:s17], $0x4000  }
0x150: {  	[sflag:s17] =	ssyncset.done $0x0  }
0x151: {  	s8 =	rddreg [dreg:$0x6];
	[sflag:s17] =	ssyncadd.s32 $0xFFFFC000  }
0x152: {  	[spmem:s2] =	stream.indirect.scatter.add.f32 [tilespmem:s14], [sflag:$0x4], $0x80, s8, s12, $0xb8;
	[tilespmem:$0x1D000] =	vst v63  }
0x153: {  	_ =	swait.ge [sflag:s18], $0x4000  }
0x154: {  	[sflag:s18] =	ssyncset.done $0x0  }
0x155: {  	s9 =	rddreg [dreg:$0x7];
	[sflag:s18] =	ssyncadd.s32 $0xFFFFC000  }
0x156: {  	[tilespmem:s14], [sflag:$0x2] =	stream.indirect.gather [hbm4b:s4+s12], $0x80, s9, s12, $0xb8;
	[tilespmem:$0x1D000] =	vst v63  }
0x157: {  	_ =	swait.ge [sflag:s15], $0x4000  }
0x158: {  	[sflag:s15] =	ssyncset.done $0x0  }
0x159: {  	s7 =	rddreg [dreg:$0x8];
	[sflag:s15] =	ssyncadd.s32 $0xFFFFC000  }
0x15a: {  	[spmem:s2] =	stream.indirect.scatter.add.f32 [tilespmem:s13], [sflag:$0x3], $0x80, s7, s12, $0xb8;
	[tilespmem:$0x1D000] =	vst v63  }
0x15b: {  	_ =	swait.ge [sflag:s16], $0x4000  }
0x15c: {  	[sflag:s16] =	ssyncset.done $0x0  }
0x15d: {  	s8 =	rddreg [dreg:$0x9];
	[sflag:s16] =	ssyncadd.s32 $0xFFFFC000  }
0x15e: {  	[tilespmem:s13], [sflag:$0x1] =	stream.indirect.gather [hbm4b:s4+s12], $0x80, s8, s12, $0xb8;
	[tilespmem:$0x1D000] =	vst v63  }
0x15f: {  	_ =	swait.ge [sflag:s17], $0x4000  }
0x160: {  	[sflag:s17] =	ssyncset.done $0x0  }
0x161: {  	s9 =	rddreg [dreg:$0xa];
	[sflag:s17] =	ssyncadd.s32 $0xFFFFC000  }
0x162: {  	[spmem:s2] =	stream.indirect.scatter.add.f32 [tilespmem:s14], [sflag:$0x4], $0x80, s9, s12, $0xb8;
	[tilespmem:$0x1D000] =	vst v63  }
0x163: {  	_ =	swait.ge [sflag:s18], $0x4000  }
0x164: {  	[sflag:s18] =	ssyncset.done $0x0  }
0x165: {  	s7 =	rddreg [dreg:$0xb];
	[sflag:s18] =	ssyncadd.s32 $0xFFFFC000  }
0x166: {  	[tilespmem:s14], [sflag:$0x2] =	stream.indirect.gather [hbm4b:s4+s12], $0x80, s7, s12, $0xb8;
	[tilespmem:$0x1D000] =	vst v63  }
0x167: {  	_ =	swait.ge [sflag:s15], $0x4000  }
0x168: {  	[sflag:s15] =	ssyncset.done $0x0  }
0x169: {  	s8 =	rddreg [dreg:$0xc];
	[sflag:s15] =	ssyncadd.s32 $0xFFFFC000  }
0x16a: {  	[spmem:s2] =	stream.indirect.scatter.add.f32 [tilespmem:s13], [sflag:$0x3], $0x80, s8, s12, $0xb8;
	[tilespmem:$0x1D000] =	vst v63  }
0x16b: {  	_ =	swait.ge [sflag:s16], $0x4000  }
0x16c: {  	[sflag:s16] =	ssyncset.done $0x0  }
0x16d: {  	s9 =	rddreg [dreg:$0xd];
	[sflag:s16] =	ssyncadd.s32 $0xFFFFC000  }
0x16e: {  	[tilespmem:s13], [sflag:$0x1] =	stream.indirect.gather [hbm4b:s4+s12], $0x80, s9, s12, $0xb8;
	[tilespmem:$0x1D000] =	vst v63  }
0x16f: {  	_ =	swait.ge [sflag:s17], $0x4000  }
0x170: {  	[sflag:s17] =	ssyncset.done $0x0  }
0x171: {  	s7 =	rddreg [dreg:$0xe];
	[sflag:s17] =	ssyncadd.s32 $0xFFFFC000  }
0x172: {  	[spmem:s2] =	stream.indirect.scatter.add.f32 [tilespmem:s14], [sflag:$0x4], $0x80, s7, s12, $0xb8;
	[tilespmem:$0x1D000] =	vst v63  }
0x173: {  	_ =	swait.ge [sflag:s18], $0x4000  }
0x174: {  	[sflag:s18] =	ssyncset.done $0x0  }
0x175: {  	s8 =	rddreg [dreg:$0xf];
	[sflag:s18] =	ssyncadd.s32 $0xFFFFC000  }
0x176: {  	[tilespmem:s14], [sflag:$0x2] =	stream.indirect.gather [hbm4b:s4+s12], $0x80, s8, s12, $0xb8;
	[tilespmem:$0x1D000] =	vst v63  }
0x177: {  	_ =	swait.ge [sflag:s15], $0x4000  }
0x178: {  	[sflag:s15] =	ssyncset.done $0x0  }
0x179: {  	s9 =	rddreg [dreg:$0x10];
	[sflag:s15] =	ssyncadd.s32 $0xFFFFC000  }
0x17a: {  	[spmem:s2] =	stream.indirect.scatter.add.f32 [tilespmem:s13], [sflag:$0x3], $0x80, s9, s12, $0xb8;
	[tilespmem:$0x1D000] =	vst v63  }
0x17b: {  	_ =	swait.ge [sflag:s16], $0x4000  }
0x17c: {  	[sflag:s16] =	ssyncset.done $0x0  }
0x17d: {  	s7 =	rddreg [dreg:$0x11];
	[sflag:s16] =	ssyncadd.s32 $0xFFFFC000  }
0x17e: {  	[tilespmem:s13], [sflag:$0x1] =	stream.indirect.gather [hbm4b:s4+s12], $0x80, s7, s12, $0xb8;
	[tilespmem:$0x1D000] =	vst v63  }
0x17f: {  	_ =	swait.ge [sflag:s17], $0x4000  }
0x180: {  	[sflag:s17] =	ssyncset.done $0x0  }
0x181: {  	s8 =	rddreg [dreg:$0x12];
	[sflag:s17] =	ssyncadd.s32 $0xFFFFC000  }
0x182: {  	[spmem:s2] =	stream.indirect.scatter.add.f32 [tilespmem:s14], [sflag:$0x4], $0x80, s8, s12, $0xb8;
	[tilespmem:$0x1D000] =	vst v63  }
0x183: {  	_ =	swait.ge [sflag:s18], $0x4000  }
0x184: {  	[sflag:s18] =	ssyncset.done $0x0  }
0x185: {  	[sflag:s18] =	ssyncadd.s32 $0xFFFFC000  }
0x186: {  	[tilespmem:s14], [sflag:$0x2] =	stream.indirect.gather [hbm4b:s4+s12], $0x80, s19, s12, $0xb8;
	[tilespmem:$0x1D000] =	vst v63  }
0x187: {  	_ =	swait.ge [sflag:s15], $0x4000  }
0x188: {  	[sflag:s15] =	ssyncset.done $0x0  }
0x189: {  	[sflag:s15] =	ssyncadd.s32 $0xFFFFC000  }
0x18a: {  	[spmem:s2] =	stream.indirect.scatter.add.f32 [tilespmem:s13], [sflag:$0x3], $0x80, s20, s12, $0xb8;
	[tilespmem:$0x1D000] =	vst v63  }
0x18b: {  	_ =	swait.ge [sflag:s16], $0x4000  }
0x18c: {  	[sflag:s16] =	ssyncset.done $0x0  }
0x18d: {  	[sflag:s16] =	ssyncadd.s32 $0xFFFFC000  }
0x18e: {  	[tilespmem:s13], [sflag:$0x1] =	stream.indirect.gather [hbm4b:s4+s12], $0x80, s21, s12, $0xb8;
	[tilespmem:$0x1D000] =	vst v63  }
0x18f: {  	_ =	swait.ge [sflag:s17], $0x4000  }
0x190: {  	[sflag:s17] =	ssyncset.done $0x0  }
0x191: {  	[sflag:s17] =	ssyncadd.s32 $0xFFFFC000  }
0x192: {  	[spmem:s2] =	stream.indirect.scatter.add.f32 [tilespmem:s14], [sflag:$0x4], $0x80, s22, s12, $0xb8;
	[tilespmem:$0x1D000] =	vst v63  }
0x193: {  	_ =	swait.ge [sflag:s18], $0x4000  }
0x194: {  	[sflag:s18] =	ssyncset.done $0x0  }
0x195: {  	[sflag:s18] =	ssyncadd.s32 $0xFFFFC000  }
0x196: {  	[tilespmem:s14], [sflag:$0x2] =	stream.indirect.gather [hbm4b:s4+s12], $0x80, s23, s12, $0xb8;
	[tilespmem:$0x1D000] =	vst v63  }
0x197: {  	_ =	swait.ge [sflag:s15], $0x4000  }
0x198: {  	[sflag:s15] =	ssyncset.done $0x0  }
0x199: {  	[sflag:s15] =	ssyncadd.s32 $0xFFFFC000  }
0x19a: {  	[spmem:s2] =	stream.indirect.scatter.add.f32 [tilespmem:s13], [sflag:$0x3], $0x80, s24, s12, $0xb8;
	[tilespmem:$0x1D000] =	vst v63  }
0x19b: {  	_ =	swait.ge [sflag:s16], $0x4000  }
0x19c: {  	[sflag:s16] =	ssyncset.done $0x0  }
0x19d: {  	[sflag:s16] =	ssyncadd.s32 $0xFFFFC000  }
0x19e: {  	[tilespmem:s13], [sflag:$0x1] =	stream.indirect.gather [hbm4b:s4+s12], $0x80, s25, s12, $0xb8;
	[tilespmem:$0x1D000] =	vst v63  }
0x19f: {  	_ =	swait.ge [sflag:s17], $0x4000  }
0x1a0: {  	[sflag:s17] =	ssyncset.done $0x0  }
0x1a1: {  	[sflag:s17] =	ssyncadd.s32 $0xFFFFC000  }
0x1a2: {  	[spmem:s2] =	stream.indirect.scatter.add.f32 [tilespmem:s14], [sflag:$0x4], $0x80, s26, s12, $0xb8;
	[tilespmem:$0x1D000] =	vst v63  }
0x1a3: {  	_ =	swait.ge [sflag:s18], $0x4000  }
0x1a4: {  	[sflag:s18] =	ssyncset.done $0x0  }
0x1a5: {  	[sflag:s18] =	ssyncadd.s32 $0xFFFFC000  }
0x1a6: {  	[tilespmem:s14], [sflag:$0x2] =	stream.indirect.gather [hbm4b:s4+s12], $0x80, s28, s12, $0xb8;
	[tilespmem:$0x1D000] =	vst v63  }
0x1a7: {  	_ =	swait.ge [sflag:s15], $0x4000  }
0x1a8: {  	[sflag:s15] =	ssyncset.done $0x0  }
0x1a9: {  	[sflag:s15] =	ssyncadd.s32 $0xFFFFC000  }
0x1aa: {  	[spmem:s2] =	stream.indirect.scatter.add.f32 [tilespmem:s13], [sflag:$0x3], $0x80, s29, s12, $0xb8;
	[tilespmem:$0x1D000] =	vst v63  }
0x1ab: {  	_ =	swait.ge [sflag:s16], $0x4000  }
0x1ac: {  	[sflag:s16] =	ssyncset.done $0x0  }
0x1ad: {  	[sflag:s16] =	ssyncadd.s32 $0xFFFFC000  }
0x1ae: {  	[tilespmem:s13], [sflag:$0x1] =	stream.indirect.gather [hbm4b:s4+s12], $0x80, s30, s12, $0xb8;
	[tilespmem:$0x1D000] =	vst v63  }
0x1af: {  	_ =	swait.ge [sflag:s17], $0x4000  }
0x1b0: {  	[sflag:s17] =	ssyncset.done $0x0  }
0x1b1: {  	[sflag:s17] =	ssyncadd.s32 $0xFFFFC000  }
0x1b2: {  	[spmem:s2] =	stream.indirect.scatter.add.f32 [tilespmem:s14], [sflag:$0x4], $0x80, s31, s12, $0xb8;
	[tilespmem:$0x1D000] =	vst v63  }
0x1b3: {  	_ =	swait.ge [sflag:s18], $0x4000  }
0x1b4: {  	[sflag:s18] =	ssyncset.done $0x0  }
0x1b5: {  	[sflag:s18] =	ssyncadd.s32 $0xFFFFC000  }
0x1b6: {  	[tilespmem:s14], [sflag:$0x2] =	stream.indirect.gather [hbm4b:s4+s12], $0x80, s1, s12, $0xb8;
	[tilespmem:$0x1D000] =	vst v63  }
0x1b7: {  	_ =	swait.ge [sflag:s15], $0x4000  }
0x1b8: {  	[sflag:s15] =	ssyncset.done $0x0  }
0x1b9: {  	[sflag:s15] =	ssyncadd.s32 $0xFFFFC000  }
0x1ba: {  	[spmem:s2] =	stream.indirect.scatter.add.f32 [tilespmem:s13], [sflag:$0x3], $0x80, s0, s12, $0xb8;
	[tilespmem:$0x1D000] =	vst v63  }
0x1bb: {  	_ =	swait.ge [sflag:s16], $0x4000  }
0x1bc: {  	[sflag:s16] =	ssyncset.done $0x0  }
0x1bd: {  	[sflag:s16] =	ssyncadd.s32 $0xFFFFC000  }
0x1be: {  	_ =	swait.ge [sflag:s17], $0x4000  }
0x1bf: {  	[sflag:s17] =	ssyncset.done $0x0  }
0x1c0: {  	[sflag:s17] =	ssyncadd.s32 $0xFFFFC000  }
0x1c1: {  	[spmem:s2] =	stream.indirect.scatter.add.f32 [tilespmem:s14], [sflag:$0x4], $0x80, s5, s12, $0xb8;
	[tilespmem:$0x1D000] =	vst v63  }
0x1c2: {  	_ =	swait.ge [sflag:s18], $0x4000  }
0x1c3: {  	[sflag:s18] =	ssyncset.done $0x0  }
0x1c4: {  	[sflag:s18] =	ssyncadd.s32 $0xFFFFC000  }
0x1c5: {  	[bflag:$0x0] =	sbarrier.arrive $0xFFFF  }
0x1c6: {  	s7 =	rddreg [dreg:$0x14]  }
0x1c7: {  	s9 =	rddreg [dreg:$0x15]  }
0x1c8: {  	s8 =	rddreg [dreg:$0x17]  }
0x1c9: {  	[hbm:s9], [sflag:s7] =	dma.local [spmem:s8], $0x2800  }
0x1ca: {  	_ =	swait.ge [sflag:s10], $0x2800  }
0x1cb: {  	s6 =	rddreg [dreg:$0x18]  }
0x1cc: {  	s9 =	sadd.s32 $0x1, s6;
	s6 =	rddreg [dreg:$0x16]  }
0x1cd: {  	p0 =	sne.s32 s9, s6  }
.Ltmp1:
0x1ce: {  	_ = 	snop;
	(pc) =	sbr.rel @p0 .LBB2_1-.Ltmp1, $3  }
0x1cf: {  	_ =	sdelay $0x1  }
0x1d0: {  	[sflag:s10] =	ssyncset.done $0x0  }
0x1d1: {  	[sflag:s10] =	ssyncadd.s32 $0xFFFFD800  }
0x1d2: {  	_ =	sfence.sel $0x180000  }
0x1d3: {  	[bflag:$0x0] =	sbarrier.arrive $0xFFFF  }
0x1d4: {  	_ =	strace $0x9000004D  }
0x1d5: {  	s0 =	stileid.u32;
	[bflag:$0x2] =	sbarrier.arrive $0xFFFF  }
0x1d6: {  	p0 =	sne.s32 s0, $0x0;
	s0 =	rddreg [dreg:$0x2]  }
0x1d7: {  	s0 =	sadd.s32 @!p0 $0x100000, s0  }
0x1d8: {  	[sflag:s0] =	ssyncadd.tile.s32 @!p0 $0x1;
	_ =	shalt  }
.Lfunc_end2:
_tile_overlayer_lowered:
.L_overlay_start_2:
0x1d9: {  	(tag) =	ssettag $0x2  }
0x1da: {  	s0 =	rddreg [dreg:$0x0];
	s2 =	stileid.u32  }
0x1db: {  	s1 =	rddreg [dreg:$0x1];
	p0 =	sne.s32 s2, $0x0  }
0x1dc: {  	s3 =	rddreg [dreg:$0x2];
	[bflag:$0x3] =	sbarrier.arrive $0xFFFF;
	s2 =	simm.s32 @!p0 $0x1C05  }
0x1dd: {  	[timem:s3], [sflag:s2] =	dma.local @!p0 [hbm:s0], s1  }
0x1de: {  	s0 =	simm.s32 @!p0 $0x5  }
0x1df: {  	_ =	swait.ge @!p0 [sflag:s0], s1  }
0x1e0: {  	s1 =	ssub.s32 @!p0 $0x0, s1;
	[sflag:s0] =	ssyncset.done @!p0 $0x0  }
0x1e1: {  	[sflag:s0] =	ssyncadd.s32 @!p0 s1  }
0x1e2: {  	[bflag:$0x3] =	sbarrier.arrive $0xFFFF  }
0x1e3: {  	_ =	shalt  }

// kernel: kernel.8.cloned.1.call-start
scs
__scs_entry_jumppad:
0x0: {  	(pc) =	sbr.rel $0x88, $3  }
0x1: {  	(tag) =	ssettag $0x0;
	lr =	simm.s32 $0x1  }
0x2: {  	[smem:$0x3F9B] =	sst lr;
	_ =	strace $0xD0000000  }
0x3: {  	_ = 	snop  }
0x4: {  	_ = 	snop  }
0x5: {  	_ = 	snop  }
0x6: {  	_ = 	snop  }
0x7: {  	_ = 	snop  }
__scs_overlays_trampoline_lowered:
0x8: {  	[smem:$0x3FAA] =	sst s0  }
0x9: {  	[smem:$0x3FAB] =	sst s1  }
0xa: {  	[smem:$0x3FAC] =	sst s2  }
0xb: {  	[smem:$0x3FAD] =	sst s3  }
0xc: {  	[smem:$0x3FAE] =	sst s4  }
0xd: {  	[smem:$0x3FAF] =	sst s5  }
0xe: {  	[smem:$0x3FB0] =	sst s6  }
0xf: {  	[smem:$0x3FB1] =	sst s7  }
0x10: {  	[smem:$0x3FB2] =	sst s8  }
0x11: {  	[smem:$0x3FB3] =	sst s9;
	s0 =	simm.s32 @!p0 $0x0  }
0x12: {  	s1 =	sld [smem:$0x3F99];
	s0 =	simm.s32 @p0 $0x1  }
0x13: {  	[smem:$0x3FB4] =	sst s0;
	s0 =	simm.s32 @!p1 $0x0  }
0x14: {  	s2 =	sld [smem:$0x3F98];
	s0 =	simm.s32 @p1 $0x1  }
0x15: {  	[smem:$0x3FB5] =	sst s0;
	s0 =	simm.s32 @!p2 $0x0  }
0x16: {  	s3 =	sld [smem:$0x3FDB];
	s0 =	simm.s32 @p2 $0x1  }
0x17: {  	s4 =	simm.s32 $0x1BF5;
	[smem:$0x3FB7] =	sst s0  }
0x18: {  	s0 =	sld [smem:$0x3F9A];
	_ =	swait.ge [sflag:s4], $0x0  }
0x19: {  	s7 =	sld [smem:$0x3F9B]  }
0x1a: {  	s8 =	sadd.s32 $0xFFFFE003, lr  }
0x1b: {  	s9 =	sadd.s32 $0xFFFFFEF7, lr;
	s5 =	simm.s32 $0xFFFFFFFF;
	p2 =	slt.u32 s8, $0xFFFFF086  }
0x1c: {  	p1 =	slt.u32 s9, $0xF7A;
	s5 =	simm.s32 @!p2 $0x0  }
0x1d: {  	s5 =	simm.s32 @p1 $0x1;
	p0 =	seq.s32 s7, s2  }
0x1e: {  	s7 =	smul.u32 @!p0 $0xF7A, s2;
	p2 =	seq.s32 @!p0 s5, $0x0  }
0x1f: {  	s9 =	smul.u32 $0xF7A, s1;
	s8 =	simm.s32 @!p0 $0x1BF5;
	p2 =	por !p2, p0  }
0x20: {  	[sflag:s8] =	ssyncset.s32 @!p0 $0xFFFFF086;
	s6 =	sadd.s32 @!p0 s3, s7;
	s7 =	simm.s32 @!p0 $0x108  }
0x21: {  	s3 =	sadd.s32 s3, s9;
	s6 =	sadd.s32 @!p0 $0x88, s6;
	s7 =	simm.s32 @p2 $0x1082  }
0x22: {  	[simem:s7], [sflag:s8] =	dma.local @!p0 [hbm:s6], $0xF7A  }
0x23: {  	s9 =	sor.u32 $0xD0000000, s2;
	s6 =	simm.s32 $0x108;
	_ =	swait.ge @!p0 [sflag:s8], $0x0  }
0x24: {  	s3 =	sadd.s32 $0x88, s3;
	s6 =	simm.s32 @!p1 $0x1082;
	[sflag:s4] =	ssyncset.s32 $0xFFFFF086  }
0x25: {  	[simem:s6], [sflag:s4] =	dma.local [hbm:s3], $0xF7A  }
0x26: {  	[smem:$0x3F9B] =	sst s1;
	(tag) =	ssettag s2;
	_ =	strace s9  }
0x27: {  	s1 =	sld [smem:$0x3FAB]  }
0x28: {  	s2 =	sld [smem:$0x3FAC]  }
0x29: {  	s4 =	sld [smem:$0x3FAE]  }
0x2a: {  	p0 =	seq.s32 s5, $0x0;
	s5 =	sld [smem:$0x3FAF]  }
0x2b: {  	s6 =	sld [smem:$0x3FB0]  }
0x2c: {  	s7 =	sld [smem:$0x3FB1]  }
0x2d: {  	s3 =	simm.s32 $0x108;
	s8 =	sld [smem:$0x3FB2]  }
0x2e: {  	s3 =	simm.s32 @!p0 $0x1082;
	s9 =	sld [smem:$0x3FB3]  }
0x2f: {  	lr =	sadd.s32 s0, s3;
	s0 =	sld [smem:$0x3FAA]  }
0x30: {  	s3 =	sld [smem:$0x3FAD]  }
0x31: {  	[smem:$0x3FB6] =	sst s10  }
0x32: {  	s10 =	sld [smem:$0x3FB4];
	_ =	sdelay $0x3  }
0x33: {  	p0 =	seq.s32 s10, $0x1;
	s10 =	sld [smem:$0x3FB6];
	_ =	sdelay $0x3  }
0x34: {  	[smem:$0x3FB6] =	sst s10  }
0x35: {  	s10 =	sld [smem:$0x3FB5];
	_ =	sdelay $0x3  }
0x36: {  	p1 =	seq.s32 s10, $0x1;
	s10 =	sld [smem:$0x3FB6];
	_ =	sdelay $0x3  }
0x37: {  	[smem:$0x3FB6] =	sst s10  }
0x38: {  	s10 =	sld [smem:$0x3FB7]  }
0x39: {  	_ = 	snop;
	(pc) =	sbr.ind lr, $3  }
0x3a: {  	_ = 	snop  }
0x3b: {  	_ = 	snop  }
0x3c: {  	p2 =	seq.s32 s10, $0x1;
	s10 =	sld [smem:$0x3FB6]  }
0x3d: {  	_ =	shalt  }
0x3e: {  	_ =	shalt  }
0x3f: {  	_ =	shalt  }
0x40: {  	_ =	shalt  }
0x41: {  	_ =	shalt  }
0x42: {  	_ =	shalt  }
0x43: {  	_ =	shalt  }
0x44: {  	_ =	shalt  }
0x45: {  	_ =	shalt  }
0x46: {  	_ =	shalt  }
0x47: {  	_ =	shalt  }
0x48: {  	_ =	shalt  }
0x49: {  	_ =	shalt  }
0x4a: {  	_ =	shalt  }
0x4b: {  	_ =	shalt  }
0x4c: {  	_ =	shalt  }
0x4d: {  	_ =	shalt  }
0x4e: {  	_ =	shalt  }
0x4f: {  	_ =	shalt  }
0x50: {  	_ =	shalt  }
0x51: {  	_ =	shalt  }
0x52: {  	_ =	shalt  }
0x53: {  	_ =	shalt  }
0x54: {  	_ =	shalt  }
0x55: {  	_ =	shalt  }
0x56: {  	_ =	shalt  }
0x57: {  	_ =	shalt  }
0x58: {  	_ =	shalt  }
0x59: {  	_ =	shalt  }
0x5a: {  	_ =	shalt  }
0x5b: {  	_ =	shalt  }
0x5c: {  	_ =	shalt  }
0x5d: {  	_ =	shalt  }
0x5e: {  	_ =	shalt  }
0x5f: {  	_ =	shalt  }
0x60: {  	_ =	shalt  }
0x61: {  	_ =	shalt  }
0x62: {  	_ =	shalt  }
0x63: {  	_ =	shalt  }
0x64: {  	_ =	shalt  }
0x65: {  	_ =	shalt  }
0x66: {  	_ =	shalt  }
0x67: {  	_ =	shalt  }
0x68: {  	_ =	shalt  }
0x69: {  	_ =	shalt  }
0x6a: {  	_ =	shalt  }
0x6b: {  	_ =	shalt  }
0x6c: {  	_ =	shalt  }
0x6d: {  	_ =	shalt  }
0x6e: {  	_ =	shalt  }
0x6f: {  	_ =	shalt  }
0x70: {  	_ =	shalt  }
0x71: {  	_ =	shalt  }
0x72: {  	_ =	shalt  }
0x73: {  	_ =	shalt  }
0x74: {  	_ =	shalt  }
0x75: {  	_ =	shalt  }
0x76: {  	_ =	shalt  }
0x77: {  	_ =	shalt  }
0x78: {  	_ =	shalt  }
0x79: {  	_ =	shalt  }
0x7a: {  	_ =	shalt  }
0x7b: {  	_ =	shalt  }
0x7c: {  	_ =	shalt  }
0x7d: {  	_ =	shalt  }
0x7e: {  	_ =	shalt  }
0x7f: {  	_ =	shalt  }
0x80: {  	_ =	shalt  }
0x81: {  	_ =	shalt  }
0x82: {  	_ =	shalt  }
0x83: {  	_ =	shalt  }
0x84: {  	_ =	shalt  }
0x85: {  	_ =	shalt  }
0x86: {  	_ =	shalt  }
0x87: {  	_ =	shalt  }
.Lfunc_end0:
.L_simem_size_0:
called_computation_lowered:
.L_overlay_start_0:
0x88: {  	s2 =	sld [smem:$0x3FD9]  }
0x89: {  	s3 =	sld [smem:$0x3FFE];
	_ =	sdelay $0x1  }
0x8a: {  	s1 =	srdreg.scid  }
0x8b: {  	s0 =	sand.u32 $0x1, s1  }
0x8c: {  	s17 =	sshll.u32 s0, $0xA;
	s2 =	sadd.s32 s3, s2  }
0x8d: {  	s2 =	sadd.s32 s2, s17  }
0x8e: {  	[smem:$0x3FC2] =	sst s2  }
0x8f: {  	_ = 	snop  }
0x90: {  	s2 =	sld [smem:$0x3FD0];
	(tm) =	ssettm $0x1  }
0x91: {  	s18 =	sld [smem:$0x3FFB];
	_ =	sdelay $0x3  }
0x92: {  	_ =	strace s18  }
0x93: {  	s3 =	sld [smem:$0x3FFC];
	_ =	sdelay $0x3  }
0x94: {  	_ =	strace s3  }
0x95: {  	s3 =	sld [smem:$0x3FFD];
	_ =	sdelay $0x3  }
0x96: {  	_ =	strace s3  }
0x97: {  	_ =	strace $0x8FFFFFFF  }
0x98: {  	s19 =	sld [smem:$0x3FDB];
	_ =	sdelay $0x1  }
0x99: {  	s4 =	simm.s32 $_scs_section_size  }
0x9a: {  	s5 =	simm.s32 $_size__tile_overlayer_lowered;
	s6 =	simm.s32 $_tile_overlayer_lowered  }
0x9b: {  	s22 =	simm.s32 $0x1BFF;
	s21 =	sshll.u32 s6, $0x1;
	s3 =	sadd.s32 s4, s19  }
0x9c: {  	s7 =	simm.s32 $0x0;
	s20 =	sshll.u32 s5, $0x1;
	s5 =	sadd.s32 s21, s3  }
0x9d: {  	[timem:s7], [sflag:s22] =	dma.local [hbm:s5], s20  }
0x9e: {  	_ =	swait.ge [sflag:s22], s20  }
0x9f: {  	s4 =	ssub.s32 $0x0, s20;
	[sflag:s22] =	ssyncset.done $0x0  }
0xa0: {  	[sflag:s22] =	ssyncadd.s32 s4;
	_ =	sdelay $0x1  }
0xa1: {  	s23 =	simm.s32 $0x1B8B  }
0xa2: {  	_ =	swait.ge [sflag:s23], $0x1  }
0xa3: {  	[sflag:s23] =	ssyncset.done $0x0  }
0xa4: {  	s25 =	simm.s32 $0x1B8E;
	s24 =	sld [smem:$0x3FFE];
	[sflag:s23] =	ssyncadd.s32 $0xFFFFFFFF  }
0xa5: {  	s26 =	simm.s32 $execute0_lowered;
	[smem:$0x3FD2] =	sst s25  }
0xa6: {  	s5 =	sshll.u32 s26, $0x1;
	_ =	strace $0x80000046;
	[dreg:$0x1] =	wrdreg $0xFFFFFFFF  }
0xa7: {  	s28 =	simm.s32 $_size_execute0_lowered;
	s3 =	sadd.s32 s3, s5;
	[dreg:$0x0] =	wrdreg $0x0  }
0xa8: {  	s5 =	sshll.u32 s28, $0x1;
	[dreg:$0x2] =	wrdreg s3  }
0xa9: {  	[dreg:$0x3] =	wrdreg s5  }
0xaa: {  	[dreg:$0x4] =	wrdreg $0xC0  }
0xab: {  	_ =	task [dreg:s7], $0x5FFFF  }
0xac: {  	[dreg:$0x1] =	wrdreg $0xFFFFFFFF  }
0xad: {  	[dreg:$0x0] =	wrdreg $0x60  }
0xae: {  	[dreg:$0x2] =	wrdreg s24  }
0xaf: {  	[dreg:$0x3] =	wrdreg s2  }
0xb0: {  	[dreg:$0x4] =	wrdreg $0x68000  }
0xb1: {  	[dreg:$0x5] =	wrdreg $0x9  }
0xb2: {  	_ =	task.clear_ibuf [dreg:s7], $0x6FFFF;
	_ =	strace $0x90000046  }
0xb3: {  	s29 =	simm.s32 $0x9;
	_ =	strace $0x80000048  }
0xb4: {  	_ =	swait.ge [sflag:s29], $0x1  }
0xb5: {  	[sflag:s29] =	ssyncadd.s32 $0xFFFFFFFF  }
0xb6: {  	_ =	strace $0x90000048  }
0xb7: {  	_ =	sfence  }
0xb8: {  	s30 =	sld [smem:$0x0];
	_ =	sdelay $0x2  }
0xb9: {  	s31 =	sshll.u32 s1, $0xD;
	s1 =	sshrl.u32 s1, $0x2  }
0xba: {  	s3 =	sand.u32 $0x4000, s31;
	s1 =	sadd.s32 s1, s30  }
0xbb: {  	s0 =	sor.u32 s3, s0;
	s1 =	sshll.u32 s1, $0x11  }
0xbc: {  	s0 =	sor.u32 s1, s0  }
0xbd: {  	s0 =	sadd.s32 $0x8F2B, s0  }
0xbe: {  	[sflag:s0] =	ssyncadd.remote.s32 $0x1  }
0xbf: {  	_ =	sfence.sel $0xFFFF  }
0xc0: {  	[dreg:$0x0] =	wrdreg $0xFFFFFFFF;
	(pc) =	sbr.abs _section_cstart, $3  }
0xc1: {  	[dreg:$0x1] =	wrdreg $0xFFFFFFFF  }
0xc2: {  	_ =	task.clear_ibuf [dreg:s7], $0x2FFFF;
	_ =	strace $0x9FFFFFFF  }
0xc3: {  	(tm) =	ssettm $0x7FFFFFFF  }
tec
execute0_lowered:
.L_overlay_start_1:
0x0: {  	(tag) =	ssettag $0x1  }
0x1: {  	s6 =	rddreg [dreg:$0x0]  }
0x2: {  	s2 =	rddreg [dreg:$0x1]  }
0x3: {  	s0 =	srdreg.scid;
	s3 =	rddreg [dreg:$0x2]  }
0x4: {  	s4 =	simm.s32 $0x0;
	s5 =	sand.u32 $0x1, s0;
	s0 =	stileid.u32  }
0x5: {  	s13 =	simm.s32 $0x80;
	s14 =	simm.s32 $0x1;
	s8 =	smul.u32 $0x14000, s0  }
0x6: {  	s15 =	simm.s32 $0x2;
	s16 =	simm.s32 $0x0;
	s9 =	smul.u32 $0x140000, s5  }
0x7: {  	[smem:$0x7FF] =	sst s4;
	s1 =	sshll.u32 s5, $0x4;
	s29 =	smul.u32 $0x50000, s0  }
0x8: {  	s5 =	ssub.s32 $0x2, s5;
	s31 =	sshll.u32 s0, $0x6;
	s1 =	sor.u32 s0, s1  }
0x9: {  	s30 =	sshrl.u32 s5, $0x1;
	s7 =	smul.u32 $0x500, s1;
	s1 =	rddreg [dreg:$0x3]  }
0xa: {  	_ =	strace $0x80000047;
	s10 =	sshrl.u32 s8, $0x3;
	s8 =	sadd.s32 s8, s9  }
0xb: {  	s9 =	sshrl.u32 s29, $0x2;
	s11 =	ssub.s32 s5, s30;
	s10 =	sadd.s32 s10, s6  }
0xc: {  	s8 =	sshrl.u32 s8, $0x3;
	s12 =	sadd.s32 s9, s3;
	s9 =	simm.s32 $0x3  }
0xd: {  	s7 =	sadd.s32 s7, s6;
	s8 =	sadd.s32 s8, s6;
	s6 =	sadd.s32 $0x15A00, s10  }
0xe: {  	s10 =	simm.s32 $0x2800;
	s12 =	sshrl.u32 s12, $0x3;
	s5 =	sadd.s32 $0x1A00, s7  }
0xf: {  	s7 =	sadd.s32 $0x3DA00, s8;
	s8 =	smax.u32 s11, $0x1;
	s11 =	sor.u32 $0x1C03, s31  }
.LBB2_1:
0x10: {  	[tilespmem:s4], [sflag:$0x3] =	stream.linear.gather [hbm4b:s5+s4], $0x2800, $0x38;
	[tilespmem:$0x1A800] =	vst v63  }
0x11: {  	_ =	swait.ge [sflag:s9], $0x2800  }
0x12: {  	[sflag:s9] =	ssyncset.done $0x0  }
0x13: {  	[sflag:s9] =	ssyncadd.s32 $0xFFFFD800  }
0x14: {  	[tilespmem:s10], [sflag:$0x3] =	stream.linear.gather [hbm4b:s2+s4], $0x4000, $0x38;
	[tilespmem:$0x1A800] =	vst v63  }
0x15: {  	_ =	swait.ge [sflag:s9], $0x4000  }
0x16: {  	[sflag:s9] =	ssyncset.done $0x0  }
0x17: {  	[sflag:s9] =	ssyncadd.s32 $0xFFFFC000  }
0x18: {  	[spmem:s12], [sflag:s11] =	dma.local [hbm:s6], $0x2800  }
0x19: {  	_ =	swait.ge [sflag:s9], $0x2800  }
0x1a: {  	[sflag:s9] =	ssyncset.done $0x0  }
0x1b: {  	[sflag:s9] =	ssyncadd.s32 $0xFFFFD800  }
0x1c: {  	[bflag:$0x0] =	sbarrier.arrive $0xFFFF  }
0x1d: {  	[spmem:s3] =	stream.indirect.scatter.add.f32 [tilespmem:s10], [sflag:$0x1], $0x80, s4, s13, $0xb8;
	[tilespmem:$0x1A800] =	vst v63  }
0x1e: {  	_ = 	snop  }
0x1f: {  	[spmem:s3] =	stream.indirect.scatter.add.f32 [tilespmem:s10], [sflag:$0x2], $0x80, s13, s13, $0xb8;
	[tilespmem:$0x1A800] =	vst v63  }
0x20: {  	_ =	swait.ge [sflag:s14], $0x4000  }
0x21: {  	[sflag:s14] =	ssyncset.done $0x0  }
0x22: {  	s17 =	simm.s32 $0x100;
	[sflag:s14] =	ssyncadd.s32 $0xFFFFC000  }
0x23: {  	[spmem:s3] =	stream.indirect.scatter.add.f32 [tilespmem:s10], [sflag:$0x1], $0x80, s17, s13, $0xb8;
	[tilespmem:$0x1A800] =	vst v63  }
0x24: {  	_ =	swait.ge [sflag:s15], $0x4000  }
0x25: {  	[sflag:s15] =	ssyncset.done $0x0  }
0x26: {  	s18 =	simm.s32 $0x180;
	s17 =	simm.s32 $0xFFFF6800;
	[sflag:s15] =	ssyncadd.s32 $0xFFFFC000  }
.LBB2_2:
0x27: {  	[spmem:s3] =	stream.indirect.scatter.add.f32 [tilespmem:s10], [sflag:$0x2], $0x80, s18, s13, $0xb8;
	[tilespmem:$0x1A800] =	vst v63  }
0x28: {  	s18 =	smov.u32 s17  }
0x29: {  	p0 =	sne.s32 s17, $0xFFFFFC00;
	s17 =	sadd.s32 $0x400, s17;
	_ =	swait.ge [sflag:s14], $0x4000  }
0x2a: {  	s18 =	sshra.s32 s18, $0x2;
	[sflag:s14] =	ssyncset.done $0x0  }
.Ltmp0:
0x2b: {  	s19 =	sadd.s32 $0x2800, s18;
	[sflag:s14] =	ssyncadd.s32 $0xFFFFC000;
	(pc) =	sbr.rel @p0 .LBB2_2-.Ltmp0, $4  }
0x2c: {  	[spmem:s3] =	stream.indirect.scatter.add.f32 [tilespmem:s10], [sflag:$0x1], $0x80, s19, s13, $0xb8;
	[tilespmem:$0x1A800] =	vst v63  }
0x2d: {  	_ =	swait.ge [sflag:s15], $0x4000  }
0x2e: {  	[sflag:s15] =	ssyncset.done $0x0  }
0x2f: {  	s18 =	sadd.s32 $0x2880, s18;
	[sflag:s15] =	ssyncadd.s32 $0xFFFFC000  }
0x30: {  	[spmem:s3] =	stream.indirect.scatter.add.f32 [tilespmem:s10], [sflag:$0x2], $0x80, s18, s13, $0xb8;
	[tilespmem:$0x1A800] =	vst v63  }
0x31: {  	_ =	swait.ge [sflag:s14], $0x4000  }
0x32: {  	[sflag:s14] =	ssyncset.done $0x0  }
0x33: {  	[sflag:s14] =	ssyncadd.s32 $0xFFFFC000  }
0x34: {  	_ =	swait.ge [sflag:s15], $0x4000  }
0x35: {  	s16 =	sadd.s32 $0x1, s16;
	[sflag:s15] =	ssyncset.done $0x0  }
0x36: {  	p0 =	sne.s32 s16, s8;
	[sflag:s15] =	ssyncadd.s32 $0xFFFFC000  }
.Ltmp1:
0x37: {  	[bflag:$0x0] =	sbarrier.arrive $0xFFFF;
	(pc) =	sbr.rel @p0 .LBB2_1-.Ltmp1, $4  }
0x38: {  	[hbm:s7], [sflag:s11] =	dma.local [spmem:s12], $0x2800  }
0x39: {  	_ =	swait.ge [sflag:s9], $0x2800  }
0x3a: {  	[sflag:s9] =	ssyncset.done $0x0  }
0x3b: {  	[sflag:s9] =	ssyncadd.s32 $0xFFFFD800  }
0x3c: {  	_ =	sfence.sel $0x180000  }
0x3d: {  	[bflag:$0x0] =	sbarrier.arrive $0xFFFF  }
0x3e: {  	p0 =	sne.s32 s0, $0x0;
	_ =	strace $0x90000047  }
0x3f: {  	s0 =	sadd.s32 @!p0 $0x100000, s1;
	[bflag:$0x2] =	sbarrier.arrive $0xFFFF  }
0x40: {  	[sflag:s0] =	ssyncadd.tile.s32 @!p0 $0x1;
	_ =	shalt  }
.Lfunc_end2:
_tile_overlayer_lowered:
.L_overlay_start_2:
0x41: {  	(tag) =	ssettag $0x2  }
0x42: {  	s0 =	rddreg [dreg:$0x0];
	s2 =	stileid.u32  }
0x43: {  	s1 =	rddreg [dreg:$0x1];
	p0 =	sne.s32 s2, $0x0  }
0x44: {  	s3 =	rddreg [dreg:$0x2];
	[bflag:$0x3] =	sbarrier.arrive $0xFFFF;
	s2 =	simm.s32 @!p0 $0x1C03  }
0x45: {  	[timem:s3], [sflag:s2] =	dma.local @!p0 [hbm:s0], s1  }
0x46: {  	s0 =	simm.s32 @!p0 $0x3  }
0x47: {  	_ =	swait.ge @!p0 [sflag:s0], s1  }
0x48: {  	s1 =	ssub.s32 @!p0 $0x0, s1;
	[sflag:s0] =	ssyncset.done @!p0 $0x0  }
0x49: {  	[sflag:s0] =	ssyncadd.s32 @!p0 s1  }
0x4a: {  	[bflag:$0x3] =	sbarrier.arrive $0xFFFF  }
0x4b: {  	_ =	shalt  }

</sc_bundles>
